<compile_context>
chip_gen: v7x
topology: tpu7x:2x2x1
jax: 0.10.2.dev20260603
libtpu: 0.0.44.dev20260713+nightly
codegen_flags: <defaults>
</compile_context>

<pallas_src>
import functools

import jax
import jax.numpy as jnp
from jax import lax
from jax.experimental import pallas as pl
from jax.experimental.pallas import tpu as pltpu
from jax.experimental.pallas import tpu_sc as plsc

N_NODES = 10000
N_EDGES = 320000
NS = 16
L = 16
CH = 128
VPC = CH // L
N_PAD = 10240
NODES_PT = N_PAD // NS
LAST_N = N_NODES - (NS - 1) * NODES_PT
CPT = -(-N_EDGES // (NS * CH))
EPT = CPT * CH
EPE = N_EDGES // NS
E_PAD = EPT * NS

_mesh = plsc.VectorSubcoreMesh(
    core_axis_name="c", subcore_axis_name="s", num_cores=1, num_subcores=NS)


@functools.partial(
    pl.kernel,
    out_type=jax.ShapeDtypeStruct((N_NODES,), jnp.float32),
    mesh=_mesh,
    compiler_params=pltpu.CompilerParams(needs_layout_passes=False),
    scratch_types=[
        pltpu.VMEM((N_PAD,), jnp.float32),
        pltpu.VMEM((EPT,), jnp.int32),
        pltpu.VMEM((EPT,), jnp.int32),
        pltpu.VMEM((EPT,), jnp.float32),
        pltpu.VMEM((CPT, CH), jnp.float32),
        pltpu.VMEM((CH,), jnp.float32),
        pltpu.VMEM((NODES_PT,), jnp.float32),
        pltpu.VMEM((NODES_PT,), jnp.float32),
        pltpu.VMEM((NODES_PT,), jnp.float32),
        pltpu.VMEM_SHARED((N_PAD,), jnp.float32),
        pltpu.VMEM_SHARED((N_PAD,), jnp.float32),
        pltpu.SemaphoreType.DMA,
        pltpu.SemaphoreType.DMA,
    ],
)
def _sc_kernel(xcol_hbm, ei_hbm, ea_hbm, out_hbm,
               xcol_v, src_v, dst_v, ea_v, ld_v, ones_v,
               sv, cv, ov, sums_sh, cnts_sh, stage_sem, scat_sem):
    t = lax.axis_index("s")
    nbase = t * NODES_PT
    ebase = t * EPE

    c0 = pltpu.async_copy(xcol_hbm, xcol_v, stage_sem)
    c1 = pltpu.async_copy(ei_hbm.at[pl.ds(ebase, EPE)],
                          src_v.at[pl.ds(0, EPE)], stage_sem)
    c2 = pltpu.async_copy(ei_hbm.at[pl.ds(N_EDGES + ebase, EPE)],
                          dst_v.at[pl.ds(0, EPE)], stage_sem)
    c3 = pltpu.async_copy(ea_hbm.at[pl.ds(ebase, EPE)],
                          ea_v.at[pl.ds(0, EPE)], stage_sem)

    for i in range((EPT - EPE) // L):
        src_v[pl.ds(EPE + i * L, L)] = jnp.zeros((L,), jnp.int32)
        dst_v[pl.ds(EPE + i * L, L)] = jnp.full((L,), N_PAD - 1, jnp.int32)
        ea_v[pl.ds(EPE + i * L, L)] = jnp.ones((L,), jnp.float32)

    def zbody(i, _):
        ov[pl.ds(i * L, L)] = jnp.zeros((L,), jnp.float32)
        return 0
    lax.fori_loop(0, NODES_PT // L, zbody, 0)
    for i in range(VPC):
        ones_v[pl.ds(i * L, L)] = jnp.ones((L,), jnp.float32)
    pltpu.sync_copy(ov, sums_sh.at[pl.ds(nbase, NODES_PT)])
    pltpu.sync_copy(ov, cnts_sh.at[pl.ds(nbase, NODES_PT)])
    c0.wait()
    c1.wait()
    c2.wait()
    c3.wait()
    plsc.subcore_barrier()

    @plsc.parallel_loop(0, CPT)
    def _compute(j):
        for k in range(VPC):
            o = j * CH + k * L
            sl = pl.ds(k * L, L)
            xs = plsc.load_gather(xcol_v, [src_v[pl.ds(o, L)]])
            xd = plsc.load_gather(xcol_v, [dst_v[pl.ds(o, L)]])
            ld_v[j, sl] = (xd - xs) / ea_v[pl.ds(o, L)]

    def sbody(j, _):
        idx = dst_v.at[pl.ds(j * CH, CH)]
        pltpu.async_copy(ld_v.at[j], sums_sh.at[idx], scat_sem, add=True)
        pltpu.async_copy(ones_v, cnts_sh.at[idx], scat_sem, add=True)

        @pl.when(j > 0)
        def _():
            pidx = dst_v.at[pl.ds((j - 1) * CH, CH)]
            pltpu.make_async_copy(ld_v.at[j - 1], sums_sh.at[pidx],
                                  scat_sem).wait()
            pltpu.make_async_copy(ones_v, cnts_sh.at[pidx], scat_sem).wait()
        return 0
    lax.fori_loop(0, CPT, sbody, 0)
    lidx = dst_v.at[pl.ds((CPT - 1) * CH, CH)]
    pltpu.make_async_copy(ld_v.at[CPT - 1], sums_sh.at[lidx], scat_sem).wait()
    pltpu.make_async_copy(ones_v, cnts_sh.at[lidx], scat_sem).wait()
    plsc.subcore_barrier()

    pltpu.sync_copy(sums_sh.at[pl.ds(nbase, NODES_PT)], sv)
    pltpu.sync_copy(cnts_sh.at[pl.ds(nbase, NODES_PT)], cv)

    def obody(i, _):
        sl = pl.ds(i * L, L)
        ov[sl] = sv[sl] / jnp.maximum(cv[sl], 1.0)
        return 0
    lax.fori_loop(0, NODES_PT // L, obody, 0)

    @pl.when(t < NS - 1)
    def _():
        pltpu.sync_copy(ov, out_hbm.at[pl.ds(nbase, NODES_PT)])

    @pl.when(t == NS - 1)
    def _():
        pltpu.sync_copy(ov.at[pl.ds(0, LAST_N)],
                        out_hbm.at[pl.ds(nbase, LAST_N)])


@jax.jit
def kernel(x, edge_index, edge_attr):
    xcol = jnp.pad(x[:, 0], (0, N_PAD - N_NODES))
    return _sc_kernel(xcol, edge_index.reshape(-1), edge_attr[:, 0])

# --- scband reference (transcript-rebuilt; emitter-appended) ---
"""Pipeline reference for scband-spatial-derivative-operator-16939351015514 (READ-ONLY COPY).

The authoritative reference and input builder live on the scoring server;
editing this copy changes nothing except your own understanding.
"""

import jax, jax.numpy as jnp
import numpy as np

N_NODES = 10000
N_EDGES = 320000
D_FEAT = 128
D_EDGE = 4
IDX_NODE = 0
IDX_EDGE = 0


def setup_inputs(seed: int = 0) -> dict:
    key = jax.random.key(seed)
    k1, k2, k3 = jax.random.split(key, 3)
    x = jax.random.normal(k1, (N_NODES, D_FEAT), dtype=jnp.float32)
    # edge_index: int indices in [0, N_NODES); int32 used for CPU-jax default (x64 disabled),
    # semantics identical to torch int64 indices.
    edge_index = jax.random.randint(k2, (2, N_EDGES), 0, N_NODES, dtype=jnp.int32)
    # edge_attr is used as a divisor (edge length); keep it bounded away from zero.
    edge_attr = jax.random.uniform(k3, (N_EDGES, D_EDGE), dtype=jnp.float32, minval=0.5, maxval=1.5)
    return {"x": x, "edge_index": edge_index, "edge_attr": edge_attr}


def reference(x, edge_index, edge_attr):
    # graph.x[:, index_derivative_node]
    nodes_input = x[:, IDX_NODE]
    # graph.edge_attr[:, index_derivative_edge]
    edges_input = edge_attr[:, IDX_EDGE]
    # MetaLayer edge model: EdgeSpatialDerivative
    src = jnp.take(nodes_input, edge_index[0], axis=0)
    dest = jnp.take(nodes_input, edge_index[1], axis=0)
    local_derivative = (dest - src) / edges_input
    # MetaLayer node model: NodeSpatialDerivative = scatter_mean over dst nodes
    nb_node = x.shape[0]
    sums = jax.ops.segment_sum(local_derivative, edge_index[1], num_segments=nb_node)
    counts = jax.ops.segment_sum(jnp.ones_like(local_derivative), edge_index[1], num_segments=nb_node)
    derivative = sums / jnp.maximum(counts, 1.0)  # scatter_mean with count clamped to >=1
    return derivative

if __name__ == "__main__":
    import jax
    _d = setup_inputs()
    print(jax.jit(kernel)(*tuple(_d.values())))

</pallas_src>

<mosaic_0001>
#map = affine_map<(d0, d1) -> (0)>
module attributes {stable_mosaic.version = 14 : i64} {
  func.func @_sc_kernel(%arg0: i32, %arg1: i32, %arg2: memref<10240xf32, #tpu.memory_space<hbm>>, %arg3: memref<640000xi32, #tpu.memory_space<hbm>>, %arg4: memref<320000xf32, #tpu.memory_space<hbm>>, %arg5: memref<10000xf32, #tpu.memory_space<hbm>>, %arg6: memref<10240xf32, #tpu.memory_space<vmem>>, %arg7: memref<20096xi32, #tpu.memory_space<vmem>>, %arg8: memref<20096xi32, #tpu.memory_space<vmem>>, %arg9: memref<20096xf32, #tpu.memory_space<vmem>>, %arg10: memref<157x128xf32, #tpu.memory_space<vmem>>, %arg11: memref<128xf32, #tpu.memory_space<vmem>>, %arg12: memref<640xf32, #tpu.memory_space<vmem>>, %arg13: memref<640xf32, #tpu.memory_space<vmem>>, %arg14: memref<640xf32, #tpu.memory_space<vmem>>, %arg15: memref<10240xf32, #tpu.memory_space<vmem_shared>>, %arg16: memref<10240xf32, #tpu.memory_space<vmem_shared>>, %arg17: memref<!tpu.dma_semaphore, #tpu.memory_space<semaphore_mem>>, %arg18: memref<!tpu.dma_semaphore, #tpu.memory_space<semaphore_mem>>) attributes {dimension_semantics = [#tpu.dimension_semantics<core_parallel>, #tpu.dimension_semantics<subcore_parallel>], iteration_bounds = array<i64: 1, 16>, scalar_prefetch = 0 : i64, scratch_operands = 13 : i64, tpu.core_type = #tpu.core_type<sc_vector_subcore>, window_params = [{transform_indices = #map}, {transform_indices = #map}, {transform_indices = #map}, {transform_indices = #map}]} {
    %mul3A = arith.constant 640 : i32
    %mul3A_0 = arith.muli %arg1, %mul3A : i32
    %mul3A_1 = arith.constant 20000 : i32
    %mul3A_2 = arith.muli %arg1, %mul3A_1 : i32
    tpu.enqueue_dma source(%arg2 : memref<10240xf32, #tpu.memory_space<hbm>>) target(%arg6 : memref<10240xf32, #tpu.memory_space<vmem>>) target_semaphore(%arg17 : memref<!tpu.dma_semaphore, #tpu.memory_space<semaphore_mem>>)
    %dma_start3A = arith.constant 0 : i32
    %dma_start3A_3 = tpu.memref_slice %arg7[%dma_start3A] : memref<20096xi32, #tpu.memory_space<vmem>> -> memref<20000xi32, #tpu.memory_space<vmem>>
    %dma_start3A_4 = tpu.memref_slice %arg3[%mul3A_2] : memref<640000xi32, #tpu.memory_space<hbm>> -> memref<20000xi32, #tpu.memory_space<hbm>>
    %dma_start3A_5 = arith.constant 0 : i32
    %dma_start3A_6 = tpu.memref_slice %arg7[%dma_start3A_5] : memref<20096xi32, #tpu.memory_space<vmem>> -> memref<20000xi32, #tpu.memory_space<vmem>>
    %dma_start3A_7 = tpu.memref_slice %arg3[%mul3A_2] : memref<640000xi32, #tpu.memory_space<hbm>> -> memref<20000xi32, #tpu.memory_space<hbm>>
    tpu.enqueue_dma source(%dma_start3A_7 : memref<20000xi32, #tpu.memory_space<hbm>>) target(%dma_start3A_6 : memref<20000xi32, #tpu.memory_space<vmem>>) target_semaphore(%arg17 : memref<!tpu.dma_semaphore, #tpu.memory_space<semaphore_mem>>)
    %add3A = arith.constant 320000 : i32
    %add3A_8 = arith.addi %add3A, %mul3A_2 : i32
    %dma_start3A_9 = arith.constant 0 : i32
    %dma_start3A_10 = tpu.memref_slice %arg8[%dma_start3A_9] : memref<20096xi32, #tpu.memory_space<vmem>> -> memref<20000xi32, #tpu.memory_space<vmem>>
    %dma_start3A_11 = tpu.memref_slice %arg3[%add3A_8] : memref<640000xi32, #tpu.memory_space<hbm>> -> memref<20000xi32, #tpu.memory_space<hbm>>
    %dma_start3A_12 = arith.constant 0 : i32
    %dma_start3A_13 = tpu.memref_slice %arg8[%dma_start3A_12] : memref<20096xi32, #tpu.memory_space<vmem>> -> memref<20000xi32, #tpu.memory_space<vmem>>
    %dma_start3A_14 = tpu.memref_slice %arg3[%add3A_8] : memref<640000xi32, #tpu.memory_space<hbm>> -> memref<20000xi32, #tpu.memory_space<hbm>>
    tpu.enqueue_dma source(%dma_start3A_14 : memref<20000xi32, #tpu.memory_space<hbm>>) target(%dma_start3A_13 : memref<20000xi32, #tpu.memory_space<vmem>>) target_semaphore(%arg17 : memref<!tpu.dma_semaphore, #tpu.memory_space<semaphore_mem>>)
    %dma_start3A_15 = arith.constant 0 : i32
    %dma_start3A_16 = tpu.memref_slice %arg9[%dma_start3A_15] : memref<20096xf32, #tpu.memory_space<vmem>> -> memref<20000xf32, #tpu.memory_space<vmem>>
    %dma_start3A_17 = tpu.memref_slice %arg4[%mul3A_2] : memref<320000xf32, #tpu.memory_space<hbm>> -> memref<20000xf32, #tpu.memory_space<hbm>>
    %dma_start3A_18 = arith.constant 0 : i32
    %dma_start3A_19 = tpu.memref_slice %arg9[%dma_start3A_18] : memref<20096xf32, #tpu.memory_space<vmem>> -> memref<20000xf32, #tpu.memory_space<vmem>>
    %dma_start3A_20 = tpu.memref_slice %arg4[%mul3A_2] : memref<320000xf32, #tpu.memory_space<hbm>> -> memref<20000xf32, #tpu.memory_space<hbm>>
    tpu.enqueue_dma source(%dma_start3A_20 : memref<20000xf32, #tpu.memory_space<hbm>>) target(%dma_start3A_19 : memref<20000xf32, #tpu.memory_space<vmem>>) target_semaphore(%arg17 : memref<!tpu.dma_semaphore, #tpu.memory_space<semaphore_mem>>)
    %broadcast_in_dim3A = arith.constant 0 : i32
    %broadcast_in_dim3A_21 = vector.broadcast %broadcast_in_dim3A : i32 to vector<16xi32>
    %swap3A = arith.constant 20000 : index
    %swap3A_22 = tpu.vector_load %arg7[%swap3A] {strides = array<i32>} : memref<20096xi32, #tpu.memory_space<vmem>>, vector<16xi32>,
    tpu.vector_store %arg7[%swap3A], %broadcast_in_dim3A_21 {strides = array<i32>} : memref<20096xi32, #tpu.memory_space<vmem>>, vector<16xi32>,
    %broadcast_in_dim3A_23 = arith.constant 10239 : i32
    %broadcast_in_dim3A_24 = vector.broadcast %broadcast_in_dim3A_23 : i32 to vector<16xi32>
    %swap3A_25 = arith.constant 20000 : index
    %swap3A_26 = tpu.vector_load %arg8[%swap3A_25] {strides = array<i32>} : memref<20096xi32, #tpu.memory_space<vmem>>, vector<16xi32>,
    tpu.vector_store %arg8[%swap3A_25], %broadcast_in_dim3A_24 {strides = array<i32>} : memref<20096xi32, #tpu.memory_space<vmem>>, vector<16xi32>,
    %broadcast_in_dim3A_27 = arith.constant 1.000000e+00 : f32
    %broadcast_in_dim3A_28 = vector.broadcast %broadcast_in_dim3A_27 : f32 to vector<16xf32>
    %swap3A_29 = arith.constant 20000 : index
    %swap3A_30 = tpu.vector_load %arg9[%swap3A_29] {strides = array<i32>} : memref<20096xf32, #tpu.memory_space<vmem>>, vector<16xf32>,
    tpu.vector_store %arg9[%swap3A_29], %broadcast_in_dim3A_28 {strides = array<i32>} : memref<20096xf32, #tpu.memory_space<vmem>>, vector<16xf32>,
    %broadcast_in_dim3A_31 = arith.constant 0 : i32
    %broadcast_in_dim3A_32 = vector.broadcast %broadcast_in_dim3A_31 : i32 to vector<16xi32>
    %swap3A_33 = arith.constant 20016 : index
    %swap3A_34 = tpu.vector_load %arg7[%swap3A_33] {strides = array<i32>} : memref<20096xi32, #tpu.memory_space<vmem>>, vector<16xi32>,
    tpu.vector_store %arg7[%swap3A_33], %broadcast_in_dim3A_32 {strides = array<i32>} : memref<20096xi32, #tpu.memory_space<vmem>>, vector<16xi32>,
    %broadcast_in_dim3A_35 = arith.constant 10239 : i32
    %broadcast_in_dim3A_36 = vector.broadcast %broadcast_in_dim3A_35 : i32 to vector<16xi32>
    %swap3A_37 = arith.constant 20016 : index
    %swap3A_38 = tpu.vector_load %arg8[%swap3A_37] {strides = array<i32>} : memref<20096xi32, #tpu.memory_space<vmem>>, vector<16xi32>,
    tpu.vector_store %arg8[%swap3A_37], %broadcast_in_dim3A_36 {strides = array<i32>} : memref<20096xi32, #tpu.memory_space<vmem>>, vector<16xi32>,
    %broadcast_in_dim3A_39 = arith.constant 1.000000e+00 : f32
    %broadcast_in_dim3A_40 = vector.broadcast %broadcast_in_dim3A_39 : f32 to vector<16xf32>
    %swap3A_41 = arith.constant 20016 : index
    %swap3A_42 = tpu.vector_load %arg9[%swap3A_41] {strides = array<i32>} : memref<20096xf32, #tpu.memory_space<vmem>>, vector<16xf32>,
    tpu.vector_store %arg9[%swap3A_41], %broadcast_in_dim3A_40 {strides = array<i32>} : memref<20096xf32, #tpu.memory_space<vmem>>, vector<16xf32>,
    %broadcast_in_dim3A_43 = arith.constant 0 : i32
    %broadcast_in_dim3A_44 = vector.broadcast %broadcast_in_dim3A_43 : i32 to vector<16xi32>
    %swap3A_45 = arith.constant 20032 : index
    %swap3A_46 = tpu.vector_load %arg7[%swap3A_45] {strides = array<i32>} : memref<20096xi32, #tpu.memory_space<vmem>>, vector<16xi32>,
    tpu.vector_store %arg7[%swap3A_45], %broadcast_in_dim3A_44 {strides = array<i32>} : memref<20096xi32, #tpu.memory_space<vmem>>, vector<16xi32>,
    %broadcast_in_dim3A_47 = arith.constant 10239 : i32
    %broadcast_in_dim3A_48 = vector.broadcast %broadcast_in_dim3A_47 : i32 to vector<16xi32>
    %swap3A_49 = arith.constant 20032 : index
    %swap3A_50 = tpu.vector_load %arg8[%swap3A_49] {strides = array<i32>} : memref<20096xi32, #tpu.memory_space<vmem>>, vector<16xi32>,
    tpu.vector_store %arg8[%swap3A_49], %broadcast_in_dim3A_48 {strides = array<i32>} : memref<20096xi32, #tpu.memory_space<vmem>>, vector<16xi32>,
    %broadcast_in_dim3A_51 = arith.constant 1.000000e+00 : f32
    %broadcast_in_dim3A_52 = vector.broadcast %broadcast_in_dim3A_51 : f32 to vector<16xf32>
    %swap3A_53 = arith.constant 20032 : index
    %swap3A_54 = tpu.vector_load %arg9[%swap3A_53] {strides = array<i32>} : memref<20096xf32, #tpu.memory_space<vmem>>, vector<16xf32>,
    tpu.vector_store %arg9[%swap3A_53], %broadcast_in_dim3A_52 {strides = array<i32>} : memref<20096xf32, #tpu.memory_space<vmem>>, vector<16xf32>,
    %broadcast_in_dim3A_55 = arith.constant 0 : i32
    %broadcast_in_dim3A_56 = vector.broadcast %broadcast_in_dim3A_55 : i32 to vector<16xi32>
    %swap3A_57 = arith.constant 20048 : index
    %swap3A_58 = tpu.vector_load %arg7[%swap3A_57] {strides = array<i32>} : memref<20096xi32, #tpu.memory_space<vmem>>, vector<16xi32>,
    tpu.vector_store %arg7[%swap3A_57], %broadcast_in_dim3A_56 {strides = array<i32>} : memref<20096xi32, #tpu.memory_space<vmem>>, vector<16xi32>,
    %broadcast_in_dim3A_59 = arith.constant 10239 : i32
    %broadcast_in_dim3A_60 = vector.broadcast %broadcast_in_dim3A_59 : i32 to vector<16xi32>
    %swap3A_61 = arith.constant 20048 : index
    %swap3A_62 = tpu.vector_load %arg8[%swap3A_61] {strides = array<i32>} : memref<20096xi32, #tpu.memory_space<vmem>>, vector<16xi32>,
    tpu.vector_store %arg8[%swap3A_61], %broadcast_in_dim3A_60 {strides = array<i32>} : memref<20096xi32, #tpu.memory_space<vmem>>, vector<16xi32>,
    %broadcast_in_dim3A_63 = arith.constant 1.000000e+00 : f32
    %broadcast_in_dim3A_64 = vector.broadcast %broadcast_in_dim3A_63 : f32 to vector<16xf32>
    %swap3A_65 = arith.constant 20048 : index
    %swap3A_66 = tpu.vector_load %arg9[%swap3A_65] {strides = array<i32>} : memref<20096xf32, #tpu.memory_space<vmem>>, vector<16xf32>,
    tpu.vector_store %arg9[%swap3A_65], %broadcast_in_dim3A_64 {strides = array<i32>} : memref<20096xf32, #tpu.memory_space<vmem>>, vector<16xf32>,
    %broadcast_in_dim3A_67 = arith.constant 0 : i32
    %broadcast_in_dim3A_68 = vector.broadcast %broadcast_in_dim3A_67 : i32 to vector<16xi32>
    %swap3A_69 = arith.constant 20064 : index
    %swap3A_70 = tpu.vector_load %arg7[%swap3A_69] {strides = array<i32>} : memref<20096xi32, #tpu.memory_space<vmem>>, vector<16xi32>,
    tpu.vector_store %arg7[%swap3A_69], %broadcast_in_dim3A_68 {strides = array<i32>} : memref<20096xi32, #tpu.memory_space<vmem>>, vector<16xi32>,
    %broadcast_in_dim3A_71 = arith.constant 10239 : i32
    %broadcast_in_dim3A_72 = vector.broadcast %broadcast_in_dim3A_71 : i32 to vector<16xi32>
    %swap3A_73 = arith.constant 20064 : index
    %swap3A_74 = tpu.vector_load %arg8[%swap3A_73] {strides = array<i32>} : memref<20096xi32, #tpu.memory_space<vmem>>, vector<16xi32>,
    tpu.vector_store %arg8[%swap3A_73], %broadcast_in_dim3A_72 {strides = array<i32>} : memref<20096xi32, #tpu.memory_space<vmem>>, vector<16xi32>,
    %broadcast_in_dim3A_75 = arith.constant 1.000000e+00 : f32
    %broadcast_in_dim3A_76 = vector.broadcast %broadcast_in_dim3A_75 : f32 to vector<16xf32>
    %swap3A_77 = arith.constant 20064 : index
    %swap3A_78 = tpu.vector_load %arg9[%swap3A_77] {strides = array<i32>} : memref<20096xf32, #tpu.memory_space<vmem>>, vector<16xf32>,
    tpu.vector_store %arg9[%swap3A_77], %broadcast_in_dim3A_76 {strides = array<i32>} : memref<20096xf32, #tpu.memory_space<vmem>>, vector<16xf32>,
    %broadcast_in_dim3A_79 = arith.constant 0 : i32
    %broadcast_in_dim3A_80 = vector.broadcast %broadcast_in_dim3A_79 : i32 to vector<16xi32>
    %swap3A_81 = arith.constant 20080 : index
    %swap3A_82 = tpu.vector_load %arg7[%swap3A_81] {strides = array<i32>} : memref<20096xi32, #tpu.memory_space<vmem>>, vector<16xi32>,
    tpu.vector_store %arg7[%swap3A_81], %broadcast_in_dim3A_80 {strides = array<i32>} : memref<20096xi32, #tpu.memory_space<vmem>>, vector<16xi32>,
    %broadcast_in_dim3A_83 = arith.constant 10239 : i32
    %broadcast_in_dim3A_84 = vector.broadcast %broadcast_in_dim3A_83 : i32 to vector<16xi32>
    %swap3A_85 = arith.constant 20080 : index
    %swap3A_86 = tpu.vector_load %arg8[%swap3A_85] {strides = array<i32>} : memref<20096xi32, #tpu.memory_space<vmem>>, vector<16xi32>,
    tpu.vector_store %arg8[%swap3A_85], %broadcast_in_dim3A_84 {strides = array<i32>} : memref<20096xi32, #tpu.memory_space<vmem>>, vector<16xi32>,
    %broadcast_in_dim3A_87 = arith.constant 1.000000e+00 : f32
    %broadcast_in_dim3A_88 = vector.broadcast %broadcast_in_dim3A_87 : f32 to vector<16xf32>
    %swap3A_89 = arith.constant 20080 : index
    %swap3A_90 = tpu.vector_load %arg9[%swap3A_89] {strides = array<i32>} : memref<20096xf32, #tpu.memory_space<vmem>>, vector<16xf32>,
    tpu.vector_store %arg9[%swap3A_89], %broadcast_in_dim3A_88 {strides = array<i32>} : memref<20096xf32, #tpu.memory_space<vmem>>, vector<16xf32>,
    %scan3A = arith.constant 0 : i32
    %scan3A_91 = arith.constant 0 : i32
    %scan3A_92 = arith.constant 40 : i32
    %scan3A_93 = arith.addi %scan3A_91, %scan3A_92 : i32
    %scan3A_94 = arith.constant 1 : i32
    %scan3A_95 = scf.for %scan3A_181 = %scan3A_91 to %scan3A_93 step %scan3A_94 iter_args(%scan3A_182 = %scan3A) -> (i32)  : i32 {
      %broadcast_in_dim3A_183 = arith.constant 0.000000e+00 : f32
      %broadcast_in_dim3A_184 = vector.broadcast %broadcast_in_dim3A_183 : f32 to vector<16xf32>
      %mul3A_185 = arith.constant 16 : i32
      %mul3A_186 = arith.muli %scan3A_181, %mul3A_185 : i32
      %swap3A_187 = arith.index_cast %mul3A_186 : i32 to index
      %swap3A_188 = tpu.vector_load %arg14[%swap3A_187] {strides = array<i32>} : memref<640xf32, #tpu.memory_space<vmem>>, vector<16xf32>,
      tpu.vector_store %arg14[%swap3A_187], %broadcast_in_dim3A_184 {strides = array<i32>} : memref<640xf32, #tpu.memory_space<vmem>>, vector<16xf32>,
      %scan3A_189 = arith.constant 0 : i32
      scf.yield %scan3A_189 : i32
    }
    %scan3A_96 = arith.constant 40 : i32
    %broadcast_in_dim3A_97 = arith.constant 1.000000e+00 : f32
    %broadcast_in_dim3A_98 = vector.broadcast %broadcast_in_dim3A_97 : f32 to vector<16xf32>
    %swap3A_99 = arith.constant 0 : index
    %swap3A_100 = tpu.vector_load %arg11[%swap3A_99] {strides = array<i32>} : memref<128xf32, #tpu.memory_space<vmem>>, vector<16xf32>,
    tpu.vector_store %arg11[%swap3A_99], %broadcast_in_dim3A_98 {strides = array<i32>} : memref<128xf32, #tpu.memory_space<vmem>>, vector<16xf32>,
    %broadcast_in_dim3A_101 = arith.constant 1.000000e+00 : f32
    %broadcast_in_dim3A_102 = vector.broadcast %broadcast_in_dim3A_101 : f32 to vector<16xf32>
    %swap3A_103 = arith.constant 16 : index
    %swap3A_104 = tpu.vector_load %arg11[%swap3A_103] {strides = array<i32>} : memref<128xf32, #tpu.memory_space<vmem>>, vector<16xf32>,
    tpu.vector_store %arg11[%swap3A_103], %broadcast_in_dim3A_102 {strides = array<i32>} : memref<128xf32, #tpu.memory_space<vmem>>, vector<16xf32>,
    %broadcast_in_dim3A_105 = arith.constant 1.000000e+00 : f32
    %broadcast_in_dim3A_106 = vector.broadcast %broadcast_in_dim3A_105 : f32 to vector<16xf32>
    %swap3A_107 = arith.constant 32 : index
    %swap3A_108 = tpu.vector_load %arg11[%swap3A_107] {strides = array<i32>} : memref<128xf32, #tpu.memory_space<vmem>>, vector<16xf32>,
    tpu.vector_store %arg11[%swap3A_107], %broadcast_in_dim3A_106 {strides = array<i32>} : memref<128xf32, #tpu.memory_space<vmem>>, vector<16xf32>,
    %broadcast_in_dim3A_109 = arith.constant 1.000000e+00 : f32
    %broadcast_in_dim3A_110 = vector.broadcast %broadcast_in_dim3A_109 : f32 to vector<16xf32>
    %swap3A_111 = arith.constant 48 : index
    %swap3A_112 = tpu.vector_load %arg11[%swap3A_111] {strides = array<i32>} : memref<128xf32, #tpu.memory_space<vmem>>, vector<16xf32>,
    tpu.vector_store %arg11[%swap3A_111], %broadcast_in_dim3A_110 {strides = array<i32>} : memref<128xf32, #tpu.memory_space<vmem>>, vector<16xf32>,
    %broadcast_in_dim3A_113 = arith.constant 1.000000e+00 : f32
    %broadcast_in_dim3A_114 = vector.broadcast %broadcast_in_dim3A_113 : f32 to vector<16xf32>
    %swap3A_115 = arith.constant 64 : index
    %swap3A_116 = tpu.vector_load %arg11[%swap3A_115] {strides = array<i32>} : memref<128xf32, #tpu.memory_space<vmem>>, vector<16xf32>,
    tpu.vector_store %arg11[%swap3A_115], %broadcast_in_dim3A_114 {strides = array<i32>} : memref<128xf32, #tpu.memory_space<vmem>>, vector<16xf32>,
    %broadcast_in_dim3A_117 = arith.constant 1.000000e+00 : f32
    %broadcast_in_dim3A_118 = vector.broadcast %broadcast_in_dim3A_117 : f32 to vector<16xf32>
    %swap3A_119 = arith.constant 80 : index
    %swap3A_120 = tpu.vector_load %arg11[%swap3A_119] {strides = array<i32>} : memref<128xf32, #tpu.memory_space<vmem>>, vector<16xf32>,
    tpu.vector_store %arg11[%swap3A_119], %broadcast_in_dim3A_118 {strides = array<i32>} : memref<128xf32, #tpu.memory_space<vmem>>, vector<16xf32>,
    %broadcast_in_dim3A_121 = arith.constant 1.000000e+00 : f32
    %broadcast_in_dim3A_122 = vector.broadcast %broadcast_in_dim3A_121 : f32 to vector<16xf32>
    %swap3A_123 = arith.constant 96 : index
    %swap3A_124 = tpu.vector_load %arg11[%swap3A_123] {strides = array<i32>} : memref<128xf32, #tpu.memory_space<vmem>>, vector<16xf32>,
    tpu.vector_store %arg11[%swap3A_123], %broadcast_in_dim3A_122 {strides = array<i32>} : memref<128xf32, #tpu.memory_space<vmem>>, vector<16xf32>,
    %broadcast_in_dim3A_125 = arith.constant 1.000000e+00 : f32
    %broadcast_in_dim3A_126 = vector.broadcast %broadcast_in_dim3A_125 : f32 to vector<16xf32>
    %swap3A_127 = arith.constant 112 : index
    %swap3A_128 = tpu.vector_load %arg11[%swap3A_127] {strides = array<i32>} : memref<128xf32, #tpu.memory_space<vmem>>, vector<16xf32>,
    tpu.vector_store %arg11[%swap3A_127], %broadcast_in_dim3A_126 {strides = array<i32>} : memref<128xf32, #tpu.memory_space<vmem>>, vector<16xf32>,
    "tpu.region"() ({
      %run_scoped3A = tpu.sem_alloc : memref<!tpu.dma_semaphore, #tpu.memory_space<semaphore_mem>>
      %dma_start3A_181 = tpu.memref_slice %arg15[%mul3A_0] : memref<10240xf32, #tpu.memory_space<vmem_shared>> -> memref<640xf32, #tpu.memory_space<vmem_shared>>
      %dma_start3A_182 = tpu.memref_slice %arg15[%mul3A_0] : memref<10240xf32, #tpu.memory_space<vmem_shared>> -> memref<640xf32, #tpu.memory_space<vmem_shared>>
      tpu.enqueue_dma source(%arg14 : memref<640xf32, #tpu.memory_space<vmem>>) target(%dma_start3A_182 : memref<640xf32, #tpu.memory_space<vmem_shared>>) target_semaphore(%run_scoped3A : memref<!tpu.dma_semaphore, #tpu.memory_space<semaphore_mem>>)
      %dma_wait3A_183 = tpu.memref_slice %arg15[%mul3A_0] : memref<10240xf32, #tpu.memory_space<vmem_shared>> -> memref<640xf32, #tpu.memory_space<vmem_shared>>
      %dma_wait3A_184 = tpu.memref_slice %arg15[%mul3A_0] : memref<10240xf32, #tpu.memory_space<vmem_shared>> -> memref<640xf32, #tpu.memory_space<vmem_shared>>
      tpu.wait_dma2 semaphore(%run_scoped3A : memref<!tpu.dma_semaphore, #tpu.memory_space<semaphore_mem>>) src(%arg14 : memref<640xf32, #tpu.memory_space<vmem>>) dst(%dma_wait3A_184 : memref<640xf32, #tpu.memory_space<vmem_shared>>)
      tpu.yield
    }) : () -> ()
    "tpu.region"() ({
      %run_scoped3A = tpu.sem_alloc : memref<!tpu.dma_semaphore, #tpu.memory_space<semaphore_mem>>
      %dma_start3A_181 = tpu.memref_slice %arg16[%mul3A_0] : memref<10240xf32, #tpu.memory_space<vmem_shared>> -> memref<640xf32, #tpu.memory_space<vmem_shared>>
      %dma_start3A_182 = tpu.memref_slice %arg16[%mul3A_0] : memref<10240xf32, #tpu.memory_space<vmem_shared>> -> memref<640xf32, #tpu.memory_space<vmem_shared>>
      tpu.enqueue_dma source(%arg14 : memref<640xf32, #tpu.memory_space<vmem>>) target(%dma_start3A_182 : memref<640xf32, #tpu.memory_space<vmem_shared>>) target_semaphore(%run_scoped3A : memref<!tpu.dma_semaphore, #tpu.memory_space<semaphore_mem>>)
      %dma_wait3A_183 = tpu.memref_slice %arg16[%mul3A_0] : memref<10240xf32, #tpu.memory_space<vmem_shared>> -> memref<640xf32, #tpu.memory_space<vmem_shared>>
      %dma_wait3A_184 = tpu.memref_slice %arg16[%mul3A_0] : memref<10240xf32, #tpu.memory_space<vmem_shared>> -> memref<640xf32, #tpu.memory_space<vmem_shared>>
      tpu.wait_dma2 semaphore(%run_scoped3A : memref<!tpu.dma_semaphore, #tpu.memory_space<semaphore_mem>>) src(%arg14 : memref<640xf32, #tpu.memory_space<vmem>>) dst(%dma_wait3A_184 : memref<640xf32, #tpu.memory_space<vmem_shared>>)
      tpu.yield
    }) : () -> ()
    tpu.wait_dma2 semaphore(%arg17 : memref<!tpu.dma_semaphore, #tpu.memory_space<semaphore_mem>>) src(%arg2 : memref<10240xf32, #tpu.memory_space<hbm>>) dst(%arg6 : memref<10240xf32, #tpu.memory_space<vmem>>)
    %dma_wait3A = arith.constant 0 : i32
    %dma_wait3A_129 = tpu.memref_slice %arg7[%dma_wait3A] : memref<20096xi32, #tpu.memory_space<vmem>> -> memref<20000xi32, #tpu.memory_space<vmem>>
    %dma_wait3A_130 = tpu.memref_slice %arg3[%mul3A_2] : memref<640000xi32, #tpu.memory_space<hbm>> -> memref<20000xi32, #tpu.memory_space<hbm>>
    %dma_wait3A_131 = arith.constant 0 : i32
    %dma_wait3A_132 = tpu.memref_slice %arg7[%dma_wait3A_131] : memref<20096xi32, #tpu.memory_space<vmem>> -> memref<20000xi32, #tpu.memory_space<vmem>>
    %dma_wait3A_133 = tpu.memref_slice %arg3[%mul3A_2] : memref<640000xi32, #tpu.memory_space<hbm>> -> memref<20000xi32, #tpu.memory_space<hbm>>
    tpu.wait_dma2 semaphore(%arg17 : memref<!tpu.dma_semaphore, #tpu.memory_space<semaphore_mem>>) src(%dma_wait3A_133 : memref<20000xi32, #tpu.memory_space<hbm>>) dst(%dma_wait3A_132 : memref<20000xi32, #tpu.memory_space<vmem>>)
    %dma_wait3A_134 = arith.constant 0 : i32
    %dma_wait3A_135 = tpu.memref_slice %arg8[%dma_wait3A_134] : memref<20096xi32, #tpu.memory_space<vmem>> -> memref<20000xi32, #tpu.memory_space<vmem>>
    %dma_wait3A_136 = tpu.memref_slice %arg3[%add3A_8] : memref<640000xi32, #tpu.memory_space<hbm>> -> memref<20000xi32, #tpu.memory_space<hbm>>
    %dma_wait3A_137 = arith.constant 0 : i32
    %dma_wait3A_138 = tpu.memref_slice %arg8[%dma_wait3A_137] : memref<20096xi32, #tpu.memory_space<vmem>> -> memref<20000xi32, #tpu.memory_space<vmem>>
    %dma_wait3A_139 = tpu.memref_slice %arg3[%add3A_8] : memref<640000xi32, #tpu.memory_space<hbm>> -> memref<20000xi32, #tpu.memory_space<hbm>>
    tpu.wait_dma2 semaphore(%arg17 : memref<!tpu.dma_semaphore, #tpu.memory_space<semaphore_mem>>) src(%dma_wait3A_139 : memref<20000xi32, #tpu.memory_space<hbm>>) dst(%dma_wait3A_138 : memref<20000xi32, #tpu.memory_space<vmem>>)
    %dma_wait3A_140 = arith.constant 0 : i32
    %dma_wait3A_141 = tpu.memref_slice %arg9[%dma_wait3A_140] : memref<20096xf32, #tpu.memory_space<vmem>> -> memref<20000xf32, #tpu.memory_space<vmem>>
    %dma_wait3A_142 = tpu.memref_slice %arg4[%mul3A_2] : memref<320000xf32, #tpu.memory_space<hbm>> -> memref<20000xf32, #tpu.memory_space<hbm>>
    %dma_wait3A_143 = arith.constant 0 : i32
    %dma_wait3A_144 = tpu.memref_slice %arg9[%dma_wait3A_143] : memref<20096xf32, #tpu.memory_space<vmem>> -> memref<20000xf32, #tpu.memory_space<vmem>>
    %dma_wait3A_145 = tpu.memref_slice %arg4[%mul3A_2] : memref<320000xf32, #tpu.memory_space<hbm>> -> memref<20000xf32, #tpu.memory_space<hbm>>
    tpu.wait_dma2 semaphore(%arg17 : memref<!tpu.dma_semaphore, #tpu.memory_space<semaphore_mem>>) src(%dma_wait3A_145 : memref<20000xf32, #tpu.memory_space<hbm>>) dst(%dma_wait3A_144 : memref<20000xf32, #tpu.memory_space<vmem>>)
    %barrier3A = arith.constant 0 : index
    tpu.barrier barrier_id(%barrier3A)
    %parallel_loop3A = arith.constant 0 : i32
    %parallel_loop3A_146 = arith.constant 157 : i32
    %parallel_loop3A_147 = arith.constant 1 : i32
    scf.for %parallel_loop3A_181 = %parallel_loop3A to %parallel_loop3A_146 step %parallel_loop3A_147  : i32 {
      %parallel_loop3A_182 = arith.constant 128 : i32
      %parallel_loop3A_183 = arith.muli %parallel_loop3A_181, %parallel_loop3A_182 : i32
      %parallel_loop3A_184 = arith.constant 0 : i32
      %parallel_loop3A_185 = arith.addi %parallel_loop3A_183, %parallel_loop3A_184 : i32
      %parallel_loop3A_186 = arith.index_cast %parallel_loop3A_185 : i32 to index
      %parallel_loop3A_187 = tpu.vector_load %arg7[%parallel_loop3A_186] {strides = array<i32>} : memref<20096xi32, #tpu.memory_space<vmem>>, vector<16xi32>,
      %parallel_loop3A_188 = tpu.vector_load_idx %arg6[%parallel_loop3A_187] : memref<10240xf32, #tpu.memory_space<vmem>>[vector<16xi32>], vector<16xf32>,
      %parallel_loop3A_189 = arith.index_cast %parallel_loop3A_185 : i32 to index
      %parallel_loop3A_190 = tpu.vector_load %arg8[%parallel_loop3A_189] {strides = array<i32>} : memref<20096xi32, #tpu.memory_space<vmem>>, vector<16xi32>,
      %parallel_loop3A_191 = tpu.vector_load_idx %arg6[%parallel_loop3A_190] : memref<10240xf32, #tpu.memory_space<vmem>>[vector<16xi32>], vector<16xf32>,
      %parallel_loop3A_192 = arith.subf %parallel_loop3A_191, %parallel_loop3A_188 : vector<16xf32>
      %parallel_loop3A_193 = arith.index_cast %parallel_loop3A_185 : i32 to index
      %parallel_loop3A_194 = tpu.vector_load %arg9[%parallel_loop3A_193] {strides = array<i32>} : memref<20096xf32, #tpu.memory_space<vmem>>, vector<16xf32>,
      %parallel_loop3A_195 = arith.divf %parallel_loop3A_192, %parallel_loop3A_194 : vector<16xf32>
      %parallel_loop3A_196 = arith.index_cast %parallel_loop3A_181 : i32 to index
      %parallel_loop3A_197 = arith.constant 0 : index
      %parallel_loop3A_198 = tpu.vector_load %arg10[%parallel_loop3A_196, %parallel_loop3A_197] {strides = array<i32>} : memref<157x128xf32, #tpu.memory_space<vmem>>, vector<16xf32>,
      tpu.vector_store %arg10[%parallel_loop3A_196, %parallel_loop3A_197], %parallel_loop3A_195 {strides = array<i32>} : memref<157x128xf32, #tpu.memory_space<vmem>>, vector<16xf32>,
      %parallel_loop3A_199 = arith.constant 128 : i32
      %parallel_loop3A_200 = arith.muli %parallel_loop3A_181, %parallel_loop3A_199 : i32
      %parallel_loop3A_201 = arith.constant 16 : i32
      %parallel_loop3A_202 = arith.addi %parallel_loop3A_200, %parallel_loop3A_201 : i32
      %parallel_loop3A_203 = arith.index_cast %parallel_loop3A_202 : i32 to index
      %parallel_loop3A_204 = tpu.vector_load %arg7[%parallel_loop3A_203] {strides = array<i32>} : memref<20096xi32, #tpu.memory_space<vmem>>, vector<16xi32>,
      %parallel_loop3A_205 = tpu.vector_load_idx %arg6[%parallel_loop3A_204] : memref<10240xf32, #tpu.memory_space<vmem>>[vector<16xi32>], vector<16xf32>,
      %parallel_loop3A_206 = arith.index_cast %parallel_loop3A_202 : i32 to index
      %parallel_loop3A_207 = tpu.vector_load %arg8[%parallel_loop3A_206] {strides = array<i32>} : memref<20096xi32, #tpu.memory_space<vmem>>, vector<16xi32>,
      %parallel_loop3A_208 = tpu.vector_load_idx %arg6[%parallel_loop3A_207] : memref<10240xf32, #tpu.memory_space<vmem>>[vector<16xi32>], vector<16xf32>,
      %parallel_loop3A_209 = arith.subf %parallel_loop3A_208, %parallel_loop3A_205 : vector<16xf32>
      %parallel_loop3A_210 = arith.index_cast %parallel_loop3A_202 : i32 to index
      %parallel_loop3A_211 = tpu.vector_load %arg9[%parallel_loop3A_210] {strides = array<i32>} : memref<20096xf32, #tpu.memory_space<vmem>>, vector<16xf32>,
      %parallel_loop3A_212 = arith.divf %parallel_loop3A_209, %parallel_loop3A_211 : vector<16xf32>
      %parallel_loop3A_213 = arith.index_cast %parallel_loop3A_181 : i32 to index
      %parallel_loop3A_214 = arith.constant 16 : index
      %parallel_loop3A_215 = tpu.vector_load %arg10[%parallel_loop3A_213, %parallel_loop3A_214] {strides = array<i32>} : memref<157x128xf32, #tpu.memory_space<vmem>>, vector<16xf32>,
      tpu.vector_store %arg10[%parallel_loop3A_213, %parallel_loop3A_214], %parallel_loop3A_212 {strides = array<i32>} : memref<157x128xf32, #tpu.memory_space<vmem>>, vector<16xf32>,
      %parallel_loop3A_216 = arith.constant 128 : i32
      %parallel_loop3A_217 = arith.muli %parallel_loop3A_181, %parallel_loop3A_216 : i32
      %parallel_loop3A_218 = arith.constant 32 : i32
      %parallel_loop3A_219 = arith.addi %parallel_loop3A_217, %parallel_loop3A_218 : i32
      %parallel_loop3A_220 = arith.index_cast %parallel_loop3A_219 : i32 to index
      %parallel_loop3A_221 = tpu.vector_load %arg7[%parallel_loop3A_220] {strides = array<i32>} : memref<20096xi32, #tpu.memory_space<vmem>>, vector<16xi32>,
      %parallel_loop3A_222 = tpu.vector_load_idx %arg6[%parallel_loop3A_221] : memref<10240xf32, #tpu.memory_space<vmem>>[vector<16xi32>], vector<16xf32>,
      %parallel_loop3A_223 = arith.index_cast %parallel_loop3A_219 : i32 to index
      %parallel_loop3A_224 = tpu.vector_load %arg8[%parallel_loop3A_223] {strides = array<i32>} : memref<20096xi32, #tpu.memory_space<vmem>>, vector<16xi32>,
      %parallel_loop3A_225 = tpu.vector_load_idx %arg6[%parallel_loop3A_224] : memref<10240xf32, #tpu.memory_space<vmem>>[vector<16xi32>], vector<16xf32>,
      %parallel_loop3A_226 = arith.subf %parallel_loop3A_225, %parallel_loop3A_222 : vector<16xf32>
      %parallel_loop3A_227 = arith.index_cast %parallel_loop3A_219 : i32 to index
      %parallel_loop3A_228 = tpu.vector_load %arg9[%parallel_loop3A_227] {strides = array<i32>} : memref<20096xf32, #tpu.memory_space<vmem>>, vector<16xf32>,
      %parallel_loop3A_229 = arith.divf %parallel_loop3A_226, %parallel_loop3A_228 : vector<16xf32>
      %parallel_loop3A_230 = arith.index_cast %parallel_loop3A_181 : i32 to index
      %parallel_loop3A_231 = arith.constant 32 : index
      %parallel_loop3A_232 = tpu.vector_load %arg10[%parallel_loop3A_230, %parallel_loop3A_231] {strides = array<i32>} : memref<157x128xf32, #tpu.memory_space<vmem>>, vector<16xf32>,
      tpu.vector_store %arg10[%parallel_loop3A_230, %parallel_loop3A_231], %parallel_loop3A_229 {strides = array<i32>} : memref<157x128xf32, #tpu.memory_space<vmem>>, vector<16xf32>,
      %parallel_loop3A_233 = arith.constant 128 : i32
      %parallel_loop3A_234 = arith.muli %parallel_loop3A_181, %parallel_loop3A_233 : i32
      %parallel_loop3A_235 = arith.constant 48 : i32
      %parallel_loop3A_236 = arith.addi %parallel_loop3A_234, %parallel_loop3A_235 : i32
      %parallel_loop3A_237 = arith.index_cast %parallel_loop3A_236 : i32 to index
      %parallel_loop3A_238 = tpu.vector_load %arg7[%parallel_loop3A_237] {strides = array<i32>} : memref<20096xi32, #tpu.memory_space<vmem>>, vector<16xi32>,
      %parallel_loop3A_239 = tpu.vector_load_idx %arg6[%parallel_loop3A_238] : memref<10240xf32, #tpu.memory_space<vmem>>[vector<16xi32>], vector<16xf32>,
      %parallel_loop3A_240 = arith.index_cast %parallel_loop3A_236 : i32 to index
      %parallel_loop3A_241 = tpu.vector_load %arg8[%parallel_loop3A_240] {strides = array<i32>} : memref<20096xi32, #tpu.memory_space<vmem>>, vector<16xi32>,
      %parallel_loop3A_242 = tpu.vector_load_idx %arg6[%parallel_loop3A_241] : memref<10240xf32, #tpu.memory_space<vmem>>[vector<16xi32>], vector<16xf32>,
      %parallel_loop3A_243 = arith.subf %parallel_loop3A_242, %parallel_loop3A_239 : vector<16xf32>
      %parallel_loop3A_244 = arith.index_cast %parallel_loop3A_236 : i32 to index
      %parallel_loop3A_245 = tpu.vector_load %arg9[%parallel_loop3A_244] {strides = array<i32>} : memref<20096xf32, #tpu.memory_space<vmem>>, vector<16xf32>,
      %parallel_loop3A_246 = arith.divf %parallel_loop3A_243, %parallel_loop3A_245 : vector<16xf32>
      %parallel_loop3A_247 = arith.index_cast %parallel_loop3A_181 : i32 to index
      %parallel_loop3A_248 = arith.constant 48 : index
      %parallel_loop3A_249 = tpu.vector_load %arg10[%parallel_loop3A_247, %parallel_loop3A_248] {strides = array<i32>} : memref<157x128xf32, #tpu.memory_space<vmem>>, vector<16xf32>,
      tpu.vector_store %arg10[%parallel_loop3A_247, %parallel_loop3A_248], %parallel_loop3A_246 {strides = array<i32>} : memref<157x128xf32, #tpu.memory_space<vmem>>, vector<16xf32>,
      %parallel_loop3A_250 = arith.constant 128 : i32
      %parallel_loop3A_251 = arith.muli %parallel_loop3A_181, %parallel_loop3A_250 : i32
      %parallel_loop3A_252 = arith.constant 64 : i32
      %parallel_loop3A_253 = arith.addi %parallel_loop3A_251, %parallel_loop3A_252 : i32
      %parallel_loop3A_254 = arith.index_cast %parallel_loop3A_253 : i32 to index
      %parallel_loop3A_255 = tpu.vector_load %arg7[%parallel_loop3A_254] {strides = array<i32>} : memref<20096xi32, #tpu.memory_space<vmem>>, vector<16xi32>,
      %parallel_loop3A_256 = tpu.vector_load_idx %arg6[%parallel_loop3A_255] : memref<10240xf32, #tpu.memory_space<vmem>>[vector<16xi32>], vector<16xf32>,
      %parallel_loop3A_257 = arith.index_cast %parallel_loop3A_253 : i32 to index
      %parallel_loop3A_258 = tpu.vector_load %arg8[%parallel_loop3A_257] {strides = array<i32>} : memref<20096xi32, #tpu.memory_space<vmem>>, vector<16xi32>,
      %parallel_loop3A_259 = tpu.vector_load_idx %arg6[%parallel_loop3A_258] : memref<10240xf32, #tpu.memory_space<vmem>>[vector<16xi32>], vector<16xf32>,
      %parallel_loop3A_260 = arith.subf %parallel_loop3A_259, %parallel_loop3A_256 : vector<16xf32>
      %parallel_loop3A_261 = arith.index_cast %parallel_loop3A_253 : i32 to index
      %parallel_loop3A_262 = tpu.vector_load %arg9[%parallel_loop3A_261] {strides = array<i32>} : memref<20096xf32, #tpu.memory_space<vmem>>, vector<16xf32>,
      %parallel_loop3A_263 = arith.divf %parallel_loop3A_260, %parallel_loop3A_262 : vector<16xf32>
      %parallel_loop3A_264 = arith.index_cast %parallel_loop3A_181 : i32 to index
      %parallel_loop3A_265 = arith.constant 64 : index
      %parallel_loop3A_266 = tpu.vector_load %arg10[%parallel_loop3A_264, %parallel_loop3A_265] {strides = array<i32>} : memref<157x128xf32, #tpu.memory_space<vmem>>, vector<16xf32>,
      tpu.vector_store %arg10[%parallel_loop3A_264, %parallel_loop3A_265], %parallel_loop3A_263 {strides = array<i32>} : memref<157x128xf32, #tpu.memory_space<vmem>>, vector<16xf32>,
      %parallel_loop3A_267 = arith.constant 128 : i32
      %parallel_loop3A_268 = arith.muli %parallel_loop3A_181, %parallel_loop3A_267 : i32
      %parallel_loop3A_269 = arith.constant 80 : i32
      %parallel_loop3A_270 = arith.addi %parallel_loop3A_268, %parallel_loop3A_269 : i32
      %parallel_loop3A_271 = arith.index_cast %parallel_loop3A_270 : i32 to index
      %parallel_loop3A_272 = tpu.vector_load %arg7[%parallel_loop3A_271] {strides = array<i32>} : memref<20096xi32, #tpu.memory_space<vmem>>, vector<16xi32>,
      %parallel_loop3A_273 = tpu.vector_load_idx %arg6[%parallel_loop3A_272] : memref<10240xf32, #tpu.memory_space<vmem>>[vector<16xi32>], vector<16xf32>,
      %parallel_loop3A_274 = arith.index_cast %parallel_loop3A_270 : i32 to index
      %parallel_loop3A_275 = tpu.vector_load %arg8[%parallel_loop3A_274] {strides = array<i32>} : memref<20096xi32, #tpu.memory_space<vmem>>, vector<16xi32>,
      %parallel_loop3A_276 = tpu.vector_load_idx %arg6[%parallel_loop3A_275] : memref<10240xf32, #tpu.memory_space<vmem>>[vector<16xi32>], vector<16xf32>,
      %parallel_loop3A_277 = arith.subf %parallel_loop3A_276, %parallel_loop3A_273 : vector<16xf32>
      %parallel_loop3A_278 = arith.index_cast %parallel_loop3A_270 : i32 to index
      %parallel_loop3A_279 = tpu.vector_load %arg9[%parallel_loop3A_278] {strides = array<i32>} : memref<20096xf32, #tpu.memory_space<vmem>>, vector<16xf32>,
      %parallel_loop3A_280 = arith.divf %parallel_loop3A_277, %parallel_loop3A_279 : vector<16xf32>
      %parallel_loop3A_281 = arith.index_cast %parallel_loop3A_181 : i32 to index
      %parallel_loop3A_282 = arith.constant 80 : index
      %parallel_loop3A_283 = tpu.vector_load %arg10[%parallel_loop3A_281, %parallel_loop3A_282] {strides = array<i32>} : memref<157x128xf32, #tpu.memory_space<vmem>>, vector<16xf32>,
      tpu.vector_store %arg10[%parallel_loop3A_281, %parallel_loop3A_282], %parallel_loop3A_280 {strides = array<i32>} : memref<157x128xf32, #tpu.memory_space<vmem>>, vector<16xf32>,
      %parallel_loop3A_284 = arith.constant 128 : i32
      %parallel_loop3A_285 = arith.muli %parallel_loop3A_181, %parallel_loop3A_284 : i32
      %parallel_loop3A_286 = arith.constant 96 : i32
      %parallel_loop3A_287 = arith.addi %parallel_loop3A_285, %parallel_loop3A_286 : i32
      %parallel_loop3A_288 = arith.index_cast %parallel_loop3A_287 : i32 to index
      %parallel_loop3A_289 = tpu.vector_load %arg7[%parallel_loop3A_288] {strides = array<i32>} : memref<20096xi32, #tpu.memory_space<vmem>>, vector<16xi32>,
      %parallel_loop3A_290 = tpu.vector_load_idx %arg6[%parallel_loop3A_289] : memref<10240xf32, #tpu.memory_space<vmem>>[vector<16xi32>], vector<16xf32>,
      %parallel_loop3A_291 = arith.index_cast %parallel_loop3A_287 : i32 to index
      %parallel_loop3A_292 = tpu.vector_load %arg8[%parallel_loop3A_291] {strides = array<i32>} : memref<20096xi32, #tpu.memory_space<vmem>>, vector<16xi32>,
      %parallel_loop3A_293 = tpu.vector_load_idx %arg6[%parallel_loop3A_292] : memref<10240xf32, #tpu.memory_space<vmem>>[vector<16xi32>], vector<16xf32>,
      %parallel_loop3A_294 = arith.subf %parallel_loop3A_293, %parallel_loop3A_290 : vector<16xf32>
      %parallel_loop3A_295 = arith.index_cast %parallel_loop3A_287 : i32 to index
      %parallel_loop3A_296 = tpu.vector_load %arg9[%parallel_loop3A_295] {strides = array<i32>} : memref<20096xf32, #tpu.memory_space<vmem>>, vector<16xf32>,
      %parallel_loop3A_297 = arith.divf %parallel_loop3A_294, %parallel_loop3A_296 : vector<16xf32>
      %parallel_loop3A_298 = arith.index_cast %parallel_loop3A_181 : i32 to index
      %parallel_loop3A_299 = arith.constant 96 : index
      %parallel_loop3A_300 = tpu.vector_load %arg10[%parallel_loop3A_298, %parallel_loop3A_299] {strides = array<i32>} : memref<157x128xf32, #tpu.memory_space<vmem>>, vector<16xf32>,
      tpu.vector_store %arg10[%parallel_loop3A_298, %parallel_loop3A_299], %parallel_loop3A_297 {strides = array<i32>} : memref<157x128xf32, #tpu.memory_space<vmem>>, vector<16xf32>,
      %parallel_loop3A_301 = arith.constant 128 : i32
      %parallel_loop3A_302 = arith.muli %parallel_loop3A_181, %parallel_loop3A_301 : i32
      %parallel_loop3A_303 = arith.constant 112 : i32
      %parallel_loop3A_304 = arith.addi %parallel_loop3A_302, %parallel_loop3A_303 : i32
      %parallel_loop3A_305 = arith.index_cast %parallel_loop3A_304 : i32 to index
      %parallel_loop3A_306 = tpu.vector_load %arg7[%parallel_loop3A_305] {strides = array<i32>} : memref<20096xi32, #tpu.memory_space<vmem>>, vector<16xi32>,
      %parallel_loop3A_307 = tpu.vector_load_idx %arg6[%parallel_loop3A_306] : memref<10240xf32, #tpu.memory_space<vmem>>[vector<16xi32>], vector<16xf32>,
      %parallel_loop3A_308 = arith.index_cast %parallel_loop3A_304 : i32 to index
      %parallel_loop3A_309 = tpu.vector_load %arg8[%parallel_loop3A_308] {strides = array<i32>} : memref<20096xi32, #tpu.memory_space<vmem>>, vector<16xi32>,
      %parallel_loop3A_310 = tpu.vector_load_idx %arg6[%parallel_loop3A_309] : memref<10240xf32, #tpu.memory_space<vmem>>[vector<16xi32>], vector<16xf32>,
      %parallel_loop3A_311 = arith.subf %parallel_loop3A_310, %parallel_loop3A_307 : vector<16xf32>
      %parallel_loop3A_312 = arith.index_cast %parallel_loop3A_304 : i32 to index
      %parallel_loop3A_313 = tpu.vector_load %arg9[%parallel_loop3A_312] {strides = array<i32>} : memref<20096xf32, #tpu.memory_space<vmem>>, vector<16xf32>,
      %parallel_loop3A_314 = arith.divf %parallel_loop3A_311, %parallel_loop3A_313 : vector<16xf32>
      %parallel_loop3A_315 = arith.index_cast %parallel_loop3A_181 : i32 to index
      %parallel_loop3A_316 = arith.constant 112 : index
      %parallel_loop3A_317 = tpu.vector_load %arg10[%parallel_loop3A_315, %parallel_loop3A_316] {strides = array<i32>} : memref<157x128xf32, #tpu.memory_space<vmem>>, vector<16xf32>,
      tpu.vector_store %arg10[%parallel_loop3A_315, %parallel_loop3A_316], %parallel_loop3A_314 {strides = array<i32>} : memref<157x128xf32, #tpu.memory_space<vmem>>, vector<16xf32>,
    } {sc.loop_unroll_factor = 1 : i64, sc.parallel_access}
    %scan3A_148 = arith.constant 0 : i32
    %scan3A_149 = arith.constant 0 : i32
    %scan3A_150 = arith.constant 157 : i32
    %scan3A_151 = arith.addi %scan3A_149, %scan3A_150 : i32
    %scan3A_152 = arith.constant 1 : i32
    %scan3A_153 = scf.for %scan3A_181 = %scan3A_149 to %scan3A_151 step %scan3A_152 iter_args(%scan3A_182 = %scan3A_148) -> (i32)  : i32 {
      %mul3A_183 = arith.constant 128 : i32
      %mul3A_184 = arith.muli %scan3A_181, %mul3A_183 : i32
      %dma_start3A_185 = arith.constant 0 : i32
      %dma_start3A_186 = tpu.memref_slice %arg10[%scan3A_181, %dma_start3A_185] : memref<157x128xf32, #tpu.memory_space<vmem>> -> memref<1x128xf32, #tpu.memory_space<vmem>>
      %dma_start3A_187 = tpu.memref_squeeze %dma_start3A_186 : memref<1x128xf32, #tpu.memory_space<vmem>> -> memref<128xf32, #tpu.memory_space<vmem>>
      %dma_start3A_188 = tpu.memref_slice %arg8[%mul3A_184] : memref<20096xi32, #tpu.memory_space<vmem>> -> memref<128xi32, #tpu.memory_space<vmem>>
      %dma_start3A_189 = arith.constant 0 : i32
      %dma_start3A_190 = tpu.memref_slice %arg15[%dma_start3A_189] : memref<10240xf32, #tpu.memory_space<vmem_shared>> -> memref<10240xf32, #tpu.memory_space<vmem_shared>>
      tpu.enqueue_indirect_dma source(%dma_start3A_187 : memref<128xf32, #tpu.memory_space<vmem>>) target(%dma_start3A_190 : memref<10240xf32, #tpu.memory_space<vmem_shared>>) offsets(%dma_start3A_188 : memref<128xi32, #tpu.memory_space<vmem>>) semaphore(%arg18 : memref<!tpu.dma_semaphore, #tpu.memory_space<semaphore_mem>>) {add = true}
      %dma_start3A_191 = tpu.memref_slice %arg8[%mul3A_184] : memref<20096xi32, #tpu.memory_space<vmem>> -> memref<128xi32, #tpu.memory_space<vmem>>
      %dma_start3A_192 = arith.constant 0 : i32
      %dma_start3A_193 = tpu.memref_slice %arg16[%dma_start3A_192] : memref<10240xf32, #tpu.memory_space<vmem_shared>> -> memref<10240xf32, #tpu.memory_space<vmem_shared>>
      tpu.enqueue_indirect_dma source(%arg11 : memref<128xf32, #tpu.memory_space<vmem>>) target(%dma_start3A_193 : memref<10240xf32, #tpu.memory_space<vmem_shared>>) offsets(%dma_start3A_191 : memref<128xi32, #tpu.memory_space<vmem>>) semaphore(%arg18 : memref<!tpu.dma_semaphore, #tpu.memory_space<semaphore_mem>>) {add = true}
      %gt3A = arith.constant 0 : i32
      %gt3A_194 = arith.cmpi sgt, %scan3A_181, %gt3A : i32
      %convert_element_type3A_195 = arith.extui %gt3A_194 : i1 to i32
      %cond3A_196 = arith.constant 0 : i32
      %cond3A_197 = arith.cmpi ne, %convert_element_type3A_195, %cond3A_196 : i32
      scf.if %cond3A_197 {
        %sub3A = arith.constant 1 : i32
        %sub3A_199 = arith.subi %scan3A_181, %sub3A : i32
        %mul3A_200 = arith.constant 128 : i32
        %mul3A_201 = arith.muli %sub3A_199, %mul3A_200 : i32
        %sub3A_202 = arith.constant 1 : i32
        %sub3A_203 = arith.subi %scan3A_181, %sub3A_202 : i32
        %dma_wait3A_204 = arith.constant 0 : i32
        %dma_wait3A_205 = tpu.memref_slice %arg10[%sub3A_203, %dma_wait3A_204] : memref<157x128xf32, #tpu.memory_space<vmem>> -> memref<1x128xf32, #tpu.memory_space<vmem>>
        %dma_wait3A_206 = tpu.memref_squeeze %dma_wait3A_205 : memref<1x128xf32, #tpu.memory_space<vmem>> -> memref<128xf32, #tpu.memory_space<vmem>>
        %dma_wait3A_207 = tpu.memref_slice %arg8[%mul3A_201] : memref<20096xi32, #tpu.memory_space<vmem>> -> memref<128xi32, #tpu.memory_space<vmem>>
        %dma_wait3A_208 = arith.constant 0 : i32
        %dma_wait3A_209 = tpu.memref_slice %arg15[%dma_wait3A_208] : memref<10240xf32, #tpu.memory_space<vmem_shared>> -> memref<10240xf32, #tpu.memory_space<vmem_shared>>
        tpu.wait_indirect_dma semaphore(%arg18 : memref<!tpu.dma_semaphore, #tpu.memory_space<semaphore_mem>>) src(%dma_wait3A_206 : memref<128xf32, #tpu.memory_space<vmem>>) dst(%dma_wait3A_209 : memref<10240xf32, #tpu.memory_space<vmem_shared>>)
        %dma_wait3A_210 = tpu.memref_slice %arg8[%mul3A_201] : memref<20096xi32, #tpu.memory_space<vmem>> -> memref<128xi32, #tpu.memory_space<vmem>>
        %dma_wait3A_211 = arith.constant 0 : i32
        %dma_wait3A_212 = tpu.memref_slice %arg16[%dma_wait3A_211] : memref<10240xf32, #tpu.memory_space<vmem_shared>> -> memref<10240xf32, #tpu.memory_space<vmem_shared>>
        tpu.wait_indirect_dma semaphore(%arg18 : memref<!tpu.dma_semaphore, #tpu.memory_space<semaphore_mem>>) src(%arg11 : memref<128xf32, #tpu.memory_space<vmem>>) dst(%dma_wait3A_212 : memref<10240xf32, #tpu.memory_space<vmem_shared>>)
      } else {
      }
      %scan3A_198 = arith.constant 0 : i32
      scf.yield %scan3A_198 : i32
    }
    %scan3A_154 = arith.constant 157 : i32
    %dma_wait3A_155 = arith.constant 156 : i32
    %dma_wait3A_156 = arith.constant 0 : i32
    %dma_wait3A_157 = tpu.memref_slice %arg10[%dma_wait3A_155, %dma_wait3A_156] : memref<157x128xf32, #tpu.memory_space<vmem>> -> memref<1x128xf32, #tpu.memory_space<vmem>>
    %dma_wait3A_158 = tpu.memref_squeeze %dma_wait3A_157 : memref<1x128xf32, #tpu.memory_space<vmem>> -> memref<128xf32, #tpu.memory_space<vmem>>
    %dma_wait3A_159 = arith.constant 19968 : i32
    %dma_wait3A_160 = tpu.memref_slice %arg8[%dma_wait3A_159] : memref<20096xi32, #tpu.memory_space<vmem>> -> memref<128xi32, #tpu.memory_space<vmem>>
    %dma_wait3A_161 = arith.constant 0 : i32
    %dma_wait3A_162 = tpu.memref_slice %arg15[%dma_wait3A_161] : memref<10240xf32, #tpu.memory_space<vmem_shared>> -> memref<10240xf32, #tpu.memory_space<vmem_shared>>
    tpu.wait_indirect_dma semaphore(%arg18 : memref<!tpu.dma_semaphore, #tpu.memory_space<semaphore_mem>>) src(%dma_wait3A_158 : memref<128xf32, #tpu.memory_space<vmem>>) dst(%dma_wait3A_162 : memref<10240xf32, #tpu.memory_space<vmem_shared>>)
    %dma_wait3A_163 = arith.constant 19968 : i32
    %dma_wait3A_164 = tpu.memref_slice %arg8[%dma_wait3A_163] : memref<20096xi32, #tpu.memory_space<vmem>> -> memref<128xi32, #tpu.memory_space<vmem>>
    %dma_wait3A_165 = arith.constant 0 : i32
    %dma_wait3A_166 = tpu.memref_slice %arg16[%dma_wait3A_165] : memref<10240xf32, #tpu.memory_space<vmem_shared>> -> memref<10240xf32, #tpu.memory_space<vmem_shared>>
    tpu.wait_indirect_dma semaphore(%arg18 : memref<!tpu.dma_semaphore, #tpu.memory_space<semaphore_mem>>) src(%arg11 : memref<128xf32, #tpu.memory_space<vmem>>) dst(%dma_wait3A_166 : memref<10240xf32, #tpu.memory_space<vmem_shared>>)
    %barrier3A_167 = arith.constant 0 : index
    tpu.barrier barrier_id(%barrier3A_167)
    "tpu.region"() ({
      %run_scoped3A = tpu.sem_alloc : memref<!tpu.dma_semaphore, #tpu.memory_space<semaphore_mem>>
      %dma_start3A_181 = tpu.memref_slice %arg15[%mul3A_0] : memref<10240xf32, #tpu.memory_space<vmem_shared>> -> memref<640xf32, #tpu.memory_space<vmem_shared>>
      %dma_start3A_182 = tpu.memref_slice %arg15[%mul3A_0] : memref<10240xf32, #tpu.memory_space<vmem_shared>> -> memref<640xf32, #tpu.memory_space<vmem_shared>>
      tpu.enqueue_dma source(%dma_start3A_182 : memref<640xf32, #tpu.memory_space<vmem_shared>>) target(%arg12 : memref<640xf32, #tpu.memory_space<vmem>>) target_semaphore(%run_scoped3A : memref<!tpu.dma_semaphore, #tpu.memory_space<semaphore_mem>>)
      %dma_wait3A_183 = tpu.memref_slice %arg15[%mul3A_0] : memref<10240xf32, #tpu.memory_space<vmem_shared>> -> memref<640xf32, #tpu.memory_space<vmem_shared>>
      %dma_wait3A_184 = tpu.memref_slice %arg15[%mul3A_0] : memref<10240xf32, #tpu.memory_space<vmem_shared>> -> memref<640xf32, #tpu.memory_space<vmem_shared>>
      tpu.wait_dma2 semaphore(%run_scoped3A : memref<!tpu.dma_semaphore, #tpu.memory_space<semaphore_mem>>) src(%dma_wait3A_184 : memref<640xf32, #tpu.memory_space<vmem_shared>>) dst(%arg12 : memref<640xf32, #tpu.memory_space<vmem>>)
      tpu.yield
    }) : () -> ()
    "tpu.region"() ({
      %run_scoped3A = tpu.sem_alloc : memref<!tpu.dma_semaphore, #tpu.memory_space<semaphore_mem>>
      %dma_start3A_181 = tpu.memref_slice %arg16[%mul3A_0] : memref<10240xf32, #tpu.memory_space<vmem_shared>> -> memref<640xf32, #tpu.memory_space<vmem_shared>>
      %dma_start3A_182 = tpu.memref_slice %arg16[%mul3A_0] : memref<10240xf32, #tpu.memory_space<vmem_shared>> -> memref<640xf32, #tpu.memory_space<vmem_shared>>
      tpu.enqueue_dma source(%dma_start3A_182 : memref<640xf32, #tpu.memory_space<vmem_shared>>) target(%arg13 : memref<640xf32, #tpu.memory_space<vmem>>) target_semaphore(%run_scoped3A : memref<!tpu.dma_semaphore, #tpu.memory_space<semaphore_mem>>)
      %dma_wait3A_183 = tpu.memref_slice %arg16[%mul3A_0] : memref<10240xf32, #tpu.memory_space<vmem_shared>> -> memref<640xf32, #tpu.memory_space<vmem_shared>>
      %dma_wait3A_184 = tpu.memref_slice %arg16[%mul3A_0] : memref<10240xf32, #tpu.memory_space<vmem_shared>> -> memref<640xf32, #tpu.memory_space<vmem_shared>>
      tpu.wait_dma2 semaphore(%run_scoped3A : memref<!tpu.dma_semaphore, #tpu.memory_space<semaphore_mem>>) src(%dma_wait3A_184 : memref<640xf32, #tpu.memory_space<vmem_shared>>) dst(%arg13 : memref<640xf32, #tpu.memory_space<vmem>>)
      tpu.yield
    }) : () -> ()
    %scan3A_168 = arith.constant 0 : i32
    %scan3A_169 = arith.constant 0 : i32
    %scan3A_170 = arith.constant 40 : i32
    %scan3A_171 = arith.addi %scan3A_169, %scan3A_170 : i32
    %scan3A_172 = arith.constant 1 : i32
    %scan3A_173 = scf.for %scan3A_181 = %scan3A_169 to %scan3A_171 step %scan3A_172 iter_args(%scan3A_182 = %scan3A_168) -> (i32)  : i32 {
      %mul3A_183 = arith.constant 16 : i32
      %mul3A_184 = arith.muli %scan3A_181, %mul3A_183 : i32
      %get3A = arith.index_cast %mul3A_184 : i32 to index
      %get3A_185 = tpu.vector_load %arg12[%get3A] {strides = array<i32>} : memref<640xf32, #tpu.memory_space<vmem>>, vector<16xf32>,
      %get3A_186 = arith.index_cast %mul3A_184 : i32 to index
      %get3A_187 = tpu.vector_load %arg13[%get3A_186] {strides = array<i32>} : memref<640xf32, #tpu.memory_space<vmem>>, vector<16xf32>,
      %max3A = arith.constant 1.000000e+00 : f32
      %max3A_188 = vector.broadcast %max3A : f32 to vector<16xf32>
      %max3A_189 = arith.maximumf %get3A_187, %max3A_188 : vector<16xf32>
      %div3A = arith.divf %get3A_185, %max3A_189 : vector<16xf32>
      %swap3A_190 = arith.index_cast %mul3A_184 : i32 to index
      %swap3A_191 = tpu.vector_load %arg14[%swap3A_190] {strides = array<i32>} : memref<640xf32, #tpu.memory_space<vmem>>, vector<16xf32>,
      tpu.vector_store %arg14[%swap3A_190], %div3A {strides = array<i32>} : memref<640xf32, #tpu.memory_space<vmem>>, vector<16xf32>,
      %scan3A_192 = arith.constant 0 : i32
      scf.yield %scan3A_192 : i32
    }
    %scan3A_174 = arith.constant 40 : i32
    %lt3A = arith.constant 15 : i32
    %lt3A_175 = arith.cmpi slt, %arg1, %lt3A : i32
    %convert_element_type3A = arith.extui %lt3A_175 : i1 to i32
    %cond3A = arith.constant 0 : i32
    %cond3A_176 = arith.cmpi ne, %convert_element_type3A, %cond3A : i32
    scf.if %cond3A_176 {
      "tpu.region"() ({
        %run_scoped3A = tpu.sem_alloc : memref<!tpu.dma_semaphore, #tpu.memory_space<semaphore_mem>>
        %dma_start3A_181 = tpu.memref_slice %arg5[%mul3A_0] : memref<10000xf32, #tpu.memory_space<hbm>> -> memref<640xf32, #tpu.memory_space<hbm>>
        %dma_start3A_182 = tpu.memref_slice %arg5[%mul3A_0] : memref<10000xf32, #tpu.memory_space<hbm>> -> memref<640xf32, #tpu.memory_space<hbm>>
        tpu.enqueue_dma source(%arg14 : memref<640xf32, #tpu.memory_space<vmem>>) target(%dma_start3A_182 : memref<640xf32, #tpu.memory_space<hbm>>) target_semaphore(%run_scoped3A : memref<!tpu.dma_semaphore, #tpu.memory_space<semaphore_mem>>)
        %dma_wait3A_183 = tpu.memref_slice %arg5[%mul3A_0] : memref<10000xf32, #tpu.memory_space<hbm>> -> memref<640xf32, #tpu.memory_space<hbm>>
        %dma_wait3A_184 = tpu.memref_slice %arg5[%mul3A_0] : memref<10000xf32, #tpu.memory_space<hbm>> -> memref<640xf32, #tpu.memory_space<hbm>>
        tpu.wait_dma2 semaphore(%run_scoped3A : memref<!tpu.dma_semaphore, #tpu.memory_space<semaphore_mem>>) src(%arg14 : memref<640xf32, #tpu.memory_space<vmem>>) dst(%dma_wait3A_184 : memref<640xf32, #tpu.memory_space<hbm>>)
        tpu.yield
      }) : () -> ()
    } else {
    }
    %eq3A = arith.constant 15 : i32
    %eq3A_177 = arith.cmpi eq, %arg1, %eq3A : i32
    %convert_element_type3A_178 = arith.extui %eq3A_177 : i1 to i32
    %cond3A_179 = arith.constant 0 : i32
    %cond3A_180 = arith.cmpi ne, %convert_element_type3A_178, %cond3A_179 : i32
    scf.if %cond3A_180 {
      "tpu.region"() ({
        %run_scoped3A = tpu.sem_alloc : memref<!tpu.dma_semaphore, #tpu.memory_space<semaphore_mem>>
        %dma_start3A_181 = arith.constant 0 : i32
        %dma_start3A_182 = tpu.memref_slice %arg14[%dma_start3A_181] : memref<640xf32, #tpu.memory_space<vmem>> -> memref<400xf32, #tpu.memory_space<vmem>>
        %dma_start3A_183 = tpu.memref_slice %arg5[%mul3A_0] : memref<10000xf32, #tpu.memory_space<hbm>> -> memref<400xf32, #tpu.memory_space<hbm>>
        %dma_start3A_184 = tpu.memref_slice %arg5[%mul3A_0] : memref<10000xf32, #tpu.memory_space<hbm>> -> memref<400xf32, #tpu.memory_space<hbm>>
        %dma_start3A_185 = arith.constant 0 : i32
        %dma_start3A_186 = tpu.memref_slice %arg14[%dma_start3A_185] : memref<640xf32, #tpu.memory_space<vmem>> -> memref<400xf32, #tpu.memory_space<vmem>>
        tpu.enqueue_dma source(%dma_start3A_186 : memref<400xf32, #tpu.memory_space<vmem>>) target(%dma_start3A_184 : memref<400xf32, #tpu.memory_space<hbm>>) target_semaphore(%run_scoped3A : memref<!tpu.dma_semaphore, #tpu.memory_space<semaphore_mem>>)
        %dma_wait3A_187 = arith.constant 0 : i32
        %dma_wait3A_188 = tpu.memref_slice %arg14[%dma_wait3A_187] : memref<640xf32, #tpu.memory_space<vmem>> -> memref<400xf32, #tpu.memory_space<vmem>>
        %dma_wait3A_189 = tpu.memref_slice %arg5[%mul3A_0] : memref<10000xf32, #tpu.memory_space<hbm>> -> memref<400xf32, #tpu.memory_space<hbm>>
        %dma_wait3A_190 = tpu.memref_slice %arg5[%mul3A_0] : memref<10000xf32, #tpu.memory_space<hbm>> -> memref<400xf32, #tpu.memory_space<hbm>>
        %dma_wait3A_191 = arith.constant 0 : i32
        %dma_wait3A_192 = tpu.memref_slice %arg14[%dma_wait3A_191] : memref<640xf32, #tpu.memory_space<vmem>> -> memref<400xf32, #tpu.memory_space<vmem>>
        tpu.wait_dma2 semaphore(%run_scoped3A : memref<!tpu.dma_semaphore, #tpu.memory_space<semaphore_mem>>) src(%dma_wait3A_192 : memref<400xf32, #tpu.memory_space<vmem>>) dst(%dma_wait3A_190 : memref<400xf32, #tpu.memory_space<hbm>>)
        tpu.yield
      }) : () -> ()
    } else {
    }
    return
  }
}

</mosaic_0001>

<sc_bundles>
// kernel: kernel.3.cloned.1.call-start
scs
__scs_entry_jumppad:
0x0: {  	(pc) =	sbr.rel $0x88, $3  }
0x1: {  	(tag) =	ssettag $0x0;
	lr =	simm.s32 $0x1  }
0x2: {  	[smem:$0x3F9E] =	sst lr;
	_ =	strace $0xD0000000  }
0x3: {  	_ = 	snop  }
0x4: {  	_ = 	snop  }
0x5: {  	_ = 	snop  }
0x6: {  	_ = 	snop  }
0x7: {  	_ = 	snop  }
__scs_overlays_trampoline_lowered:
0x8: {  	[smem:$0x3FAD] =	sst s0  }
0x9: {  	[smem:$0x3FAE] =	sst s1  }
0xa: {  	[smem:$0x3FAF] =	sst s2  }
0xb: {  	[smem:$0x3FB0] =	sst s3  }
0xc: {  	[smem:$0x3FB1] =	sst s4  }
0xd: {  	[smem:$0x3FB2] =	sst s5  }
0xe: {  	[smem:$0x3FB3] =	sst s6  }
0xf: {  	[smem:$0x3FB4] =	sst s7  }
0x10: {  	[smem:$0x3FB5] =	sst s8  }
0x11: {  	[smem:$0x3FB6] =	sst s9;
	s0 =	simm.s32 @!p0 $0x0  }
0x12: {  	s1 =	sld [smem:$0x3F9C];
	s0 =	simm.s32 @p0 $0x1  }
0x13: {  	[smem:$0x3FB7] =	sst s0;
	s0 =	simm.s32 @!p1 $0x0  }
0x14: {  	s2 =	sld [smem:$0x3F9B];
	s0 =	simm.s32 @p1 $0x1  }
0x15: {  	[smem:$0x3FB8] =	sst s0;
	s0 =	simm.s32 @!p2 $0x0  }
0x16: {  	s3 =	sld [smem:$0x3FDB];
	s0 =	simm.s32 @p2 $0x1  }
0x17: {  	s4 =	simm.s32 $0x1BF5;
	[smem:$0x3FBA] =	sst s0  }
0x18: {  	s0 =	sld [smem:$0x3F9D];
	_ =	swait.ge [sflag:s4], $0x0  }
0x19: {  	s7 =	sld [smem:$0x3F9E]  }
0x1a: {  	s8 =	sadd.s32 $0xFFFFE003, lr  }
0x1b: {  	s9 =	sadd.s32 $0xFFFFFEF7, lr;
	s5 =	simm.s32 $0xFFFFFFFF;
	p2 =	slt.u32 s8, $0xFFFFF086  }
0x1c: {  	p1 =	slt.u32 s9, $0xF7A;
	s5 =	simm.s32 @!p2 $0x0  }
0x1d: {  	s5 =	simm.s32 @p1 $0x1;
	p0 =	seq.s32 s7, s2  }
0x1e: {  	s7 =	smul.u32 @!p0 $0xF7A, s2;
	p2 =	seq.s32 @!p0 s5, $0x0  }
0x1f: {  	s9 =	smul.u32 $0xF7A, s1;
	s8 =	simm.s32 @!p0 $0x1BF5;
	p2 =	por !p2, p0  }
0x20: {  	[sflag:s8] =	ssyncset.s32 @!p0 $0xFFFFF086;
	s6 =	sadd.s32 @!p0 s3, s7;
	s7 =	simm.s32 @!p0 $0x108  }
0x21: {  	s3 =	sadd.s32 s3, s9;
	s6 =	sadd.s32 @!p0 $0x88, s6;
	s7 =	simm.s32 @p2 $0x1082  }
0x22: {  	[simem:s7], [sflag:s8] =	dma.local @!p0 [hbm:s6], $0xF7A  }
0x23: {  	s9 =	sor.u32 $0xD0000000, s2;
	s6 =	simm.s32 $0x108;
	_ =	swait.ge @!p0 [sflag:s8], $0x0  }
0x24: {  	s3 =	sadd.s32 $0x88, s3;
	s6 =	simm.s32 @!p1 $0x1082;
	[sflag:s4] =	ssyncset.s32 $0xFFFFF086  }
0x25: {  	[simem:s6], [sflag:s4] =	dma.local [hbm:s3], $0xF7A  }
0x26: {  	[smem:$0x3F9E] =	sst s1;
	(tag) =	ssettag s2;
	_ =	strace s9  }
0x27: {  	s1 =	sld [smem:$0x3FAE]  }
0x28: {  	s2 =	sld [smem:$0x3FAF]  }
0x29: {  	s4 =	sld [smem:$0x3FB1]  }
0x2a: {  	p0 =	seq.s32 s5, $0x0;
	s5 =	sld [smem:$0x3FB2]  }
0x2b: {  	s6 =	sld [smem:$0x3FB3]  }
0x2c: {  	s7 =	sld [smem:$0x3FB4]  }
0x2d: {  	s3 =	simm.s32 $0x108;
	s8 =	sld [smem:$0x3FB5]  }
0x2e: {  	s3 =	simm.s32 @!p0 $0x1082;
	s9 =	sld [smem:$0x3FB6]  }
0x2f: {  	lr =	sadd.s32 s0, s3;
	s0 =	sld [smem:$0x3FAD]  }
0x30: {  	s3 =	sld [smem:$0x3FB0]  }
0x31: {  	[smem:$0x3FB9] =	sst s10  }
0x32: {  	s10 =	sld [smem:$0x3FB7];
	_ =	sdelay $0x3  }
0x33: {  	p0 =	seq.s32 s10, $0x1;
	s10 =	sld [smem:$0x3FB9];
	_ =	sdelay $0x3  }
0x34: {  	[smem:$0x3FB9] =	sst s10  }
0x35: {  	s10 =	sld [smem:$0x3FB8];
	_ =	sdelay $0x3  }
0x36: {  	p1 =	seq.s32 s10, $0x1;
	s10 =	sld [smem:$0x3FB9];
	_ =	sdelay $0x3  }
0x37: {  	[smem:$0x3FB9] =	sst s10  }
0x38: {  	s10 =	sld [smem:$0x3FBA]  }
0x39: {  	_ = 	snop;
	(pc) =	sbr.ind lr, $3  }
0x3a: {  	_ = 	snop  }
0x3b: {  	_ = 	snop  }
0x3c: {  	p2 =	seq.s32 s10, $0x1;
	s10 =	sld [smem:$0x3FB9]  }
0x3d: {  	_ =	shalt  }
0x3e: {  	_ =	shalt  }
0x3f: {  	_ =	shalt  }
0x40: {  	_ =	shalt  }
0x41: {  	_ =	shalt  }
0x42: {  	_ =	shalt  }
0x43: {  	_ =	shalt  }
0x44: {  	_ =	shalt  }
0x45: {  	_ =	shalt  }
0x46: {  	_ =	shalt  }
0x47: {  	_ =	shalt  }
0x48: {  	_ =	shalt  }
0x49: {  	_ =	shalt  }
0x4a: {  	_ =	shalt  }
0x4b: {  	_ =	shalt  }
0x4c: {  	_ =	shalt  }
0x4d: {  	_ =	shalt  }
0x4e: {  	_ =	shalt  }
0x4f: {  	_ =	shalt  }
0x50: {  	_ =	shalt  }
0x51: {  	_ =	shalt  }
0x52: {  	_ =	shalt  }
0x53: {  	_ =	shalt  }
0x54: {  	_ =	shalt  }
0x55: {  	_ =	shalt  }
0x56: {  	_ =	shalt  }
0x57: {  	_ =	shalt  }
0x58: {  	_ =	shalt  }
0x59: {  	_ =	shalt  }
0x5a: {  	_ =	shalt  }
0x5b: {  	_ =	shalt  }
0x5c: {  	_ =	shalt  }
0x5d: {  	_ =	shalt  }
0x5e: {  	_ =	shalt  }
0x5f: {  	_ =	shalt  }
0x60: {  	_ =	shalt  }
0x61: {  	_ =	shalt  }
0x62: {  	_ =	shalt  }
0x63: {  	_ =	shalt  }
0x64: {  	_ =	shalt  }
0x65: {  	_ =	shalt  }
0x66: {  	_ =	shalt  }
0x67: {  	_ =	shalt  }
0x68: {  	_ =	shalt  }
0x69: {  	_ =	shalt  }
0x6a: {  	_ =	shalt  }
0x6b: {  	_ =	shalt  }
0x6c: {  	_ =	shalt  }
0x6d: {  	_ =	shalt  }
0x6e: {  	_ =	shalt  }
0x6f: {  	_ =	shalt  }
0x70: {  	_ =	shalt  }
0x71: {  	_ =	shalt  }
0x72: {  	_ =	shalt  }
0x73: {  	_ =	shalt  }
0x74: {  	_ =	shalt  }
0x75: {  	_ =	shalt  }
0x76: {  	_ =	shalt  }
0x77: {  	_ =	shalt  }
0x78: {  	_ =	shalt  }
0x79: {  	_ =	shalt  }
0x7a: {  	_ =	shalt  }
0x7b: {  	_ =	shalt  }
0x7c: {  	_ =	shalt  }
0x7d: {  	_ =	shalt  }
0x7e: {  	_ =	shalt  }
0x7f: {  	_ =	shalt  }
0x80: {  	_ =	shalt  }
0x81: {  	_ =	shalt  }
0x82: {  	_ =	shalt  }
0x83: {  	_ =	shalt  }
0x84: {  	_ =	shalt  }
0x85: {  	_ =	shalt  }
0x86: {  	_ =	shalt  }
0x87: {  	_ =	shalt  }
.Lfunc_end0:
.L_simem_size_0:
called_computation_lowered:
.L_overlay_start_0:
0x88: {  	s0 =	sld [smem:$0x3FD9]  }
0x89: {  	s1 =	sld [smem:$0x3FFE];
	_ =	sdelay $0x3  }
0x8a: {  	s0 =	sadd.s32 s1, s0  }
0x8b: {  	[smem:$0x3FC5] =	sst s0  }
0x8c: {  	_ = 	snop  }
0x8d: {  	s0 =	sld [smem:$0x3FD0];
	(tm) =	ssettm $0x1  }
0x8e: {  	s16 =	sld [smem:$0x3FFB];
	_ =	sdelay $0x3  }
0x8f: {  	_ =	strace s16  }
0x90: {  	s1 =	sld [smem:$0x3FFC];
	_ =	sdelay $0x3  }
0x91: {  	_ =	strace s1  }
0x92: {  	s1 =	sld [smem:$0x3FFD];
	_ =	sdelay $0x3  }
0x93: {  	_ =	strace s1  }
0x94: {  	_ =	strace $0x8FFFFFFF  }
0x95: {  	s17 =	sld [smem:$0x3FDB];
	_ =	sdelay $0x1  }
0x96: {  	s2 =	simm.s32 $_scs_section_size  }
0x97: {  	s3 =	simm.s32 $_size__tile_overlayer_lowered;
	s4 =	simm.s32 $_tile_overlayer_lowered  }
0x98: {  	s20 =	simm.s32 $0x1BFF;
	s19 =	sshll.u32 s4, $0x1;
	s1 =	sadd.s32 s2, s17  }
0x99: {  	s5 =	simm.s32 $0x0;
	s18 =	sshll.u32 s3, $0x1;
	s3 =	sadd.s32 s19, s1  }
0x9a: {  	[timem:s5], [sflag:s20] =	dma.local [hbm:s3], s18  }
0x9b: {  	_ =	swait.ge [sflag:s20], s18  }
0x9c: {  	s2 =	ssub.s32 $0x0, s18;
	[sflag:s20] =	ssyncset.done $0x0  }
0x9d: {  	[sflag:s20] =	ssyncadd.s32 s2;
	_ =	sdelay $0x1  }
0x9e: {  	s21 =	simm.s32 $0x1B8B  }
0x9f: {  	_ =	swait.ge [sflag:s21], $0x1  }
0xa0: {  	[sflag:s21] =	ssyncset.done $0x0  }
0xa1: {  	s23 =	simm.s32 $0x1B8E;
	s22 =	sld [smem:$0x3FFE];
	[sflag:s21] =	ssyncadd.s32 $0xFFFFFFFF  }
0xa2: {  	s24 =	simm.s32 $execute0_lowered;
	[smem:$0x3FD2] =	sst s23  }
0xa3: {  	s3 =	sshll.u32 s24, $0x1;
	_ =	strace $0x80000046;
	[dreg:$0x1] =	wrdreg $0xFFFFFFFF  }
0xa4: {  	s25 =	simm.s32 $_size_execute0_lowered;
	s1 =	sadd.s32 s1, s3;
	[dreg:$0x0] =	wrdreg $0x0  }
0xa5: {  	s3 =	sshll.u32 s25, $0x1;
	[dreg:$0x2] =	wrdreg s1  }
0xa6: {  	[dreg:$0x3] =	wrdreg s3  }
0xa7: {  	[dreg:$0x4] =	wrdreg $0xC0  }
0xa8: {  	_ =	task [dreg:s5], $0x5FFFF  }
0xa9: {  	[dreg:$0x1] =	wrdreg $0xFFFFFFFF  }
0xaa: {  	[dreg:$0x0] =	wrdreg $0x60  }
0xab: {  	[dreg:$0x2] =	wrdreg s22  }
0xac: {  	[dreg:$0x3] =	wrdreg s0  }
0xad: {  	[dreg:$0x4] =	wrdreg $0x16B800  }
0xae: {  	[dreg:$0x5] =	wrdreg $0x16E000  }
0xaf: {  	[dreg:$0x6] =	wrdreg $0x9  }
0xb0: {  	_ =	task.clear_ibuf [dreg:s5], $0x7FFFF;
	_ =	strace $0x90000046  }
0xb1: {  	s26 =	simm.s32 $0x9;
	_ =	strace $0x80000048  }
0xb2: {  	_ =	swait.ge [sflag:s26], $0x1  }
0xb3: {  	[sflag:s26] =	ssyncadd.s32 $0xFFFFFFFF  }
0xb4: {  	_ =	strace $0x90000048  }
0xb5: {  	_ =	sfence  }
0xb6: {  	s28 =	sld [smem:$0x0];
	_ =	sdelay $0x1  }
0xb7: {  	s29 =	srdreg.scid  }
0xb8: {  	s30 =	sshll.u32 s29, $0xD;
	s31 =	sshrl.u32 s29, $0x2  }
0xb9: {  	s2 =	sand.u32 $0x4000, s30;
	s1 =	sand.u32 $0x1, s29;
	s0 =	sadd.s32 s31, s28  }
0xba: {  	s1 =	sor.u32 s2, s1;
	s0 =	sshll.u32 s0, $0x11  }
0xbb: {  	s0 =	sor.u32 s0, s1  }
0xbc: {  	s0 =	sadd.s32 $0x8F2B, s0  }
0xbd: {  	[sflag:s0] =	ssyncadd.remote.s32 $0x1  }
0xbe: {  	_ =	sfence.sel $0xFFFF  }
0xbf: {  	[dreg:$0x0] =	wrdreg $0xFFFFFFFF;
	(pc) =	sbr.abs _section_cstart, $3  }
0xc0: {  	[dreg:$0x1] =	wrdreg $0xFFFFFFFF  }
0xc1: {  	_ =	task.clear_ibuf [dreg:s5], $0x2FFFF;
	_ =	strace $0x9FFFFFFF  }
0xc2: {  	(tm) =	ssettm $0x7FFFFFFF  }
0xc3: {  	_ =	shalt  }
tec
execute0_lowered:
.L_overlay_start_1:
0x0: {  	(tag) =	ssettag $0x1  }
0x1: {  	s5 =	rddreg [dreg:$0x0]  }
0x2: {  	s2 =	rddreg [dreg:$0x1]  }
0x3: {  	s3 =	rddreg [dreg:$0x2]  }
0x4: {  	s0 =	stileid.u32;
	s4 =	rddreg [dreg:$0x3]  }
0x5: {  	s1 =	rddreg [dreg:$0x4];
	s6 =	simm.s32 $0x0;
	s7 =	smul.u32 $0x4E20, s0  }
0x6: {  	[smem:$0x7FF] =	sst s6  }
0x7: {  	s8 =	sadd.s32 $0x1D800, s5;
	_ =	strace $0x80000047;
	s7 =	sshrl.u32 s7, $0x3  }
0x8: {  	[tilespmem:s6], [sflag:$0x1] =	stream.linear.gather [hbm4b:s8+s6], $0x2800, $0x38;
	[tilespmem:$0x17080] =	vst v63  }
0x9: {  	s5 =	sadd.s32 s5, s7  }
0xa: {  	s28 =	simm.s32 $0x2800;
	s7 =	sadd.s32 $0x9E00, s5  }
0xb: {  	[tilespmem:s28], [sflag:$0x1] =	stream.linear.gather [hbm4b:s7+s6], $0x4E20, $0x38;
	[tilespmem:$0x17080] =	vst v63  }
0xc: {  	s29 =	simm.s32 $0x7680;
	s7 =	sadd.s32 $0x9C40, s7  }
0xd: {  	[tilespmem:s29], [sflag:$0x1] =	stream.linear.gather [hbm4b:s7+s6], $0x4E20, $0x38;
	[tilespmem:$0x17080] =	vst v63  }
0xe: {  	s30 =	simm.s32 $0xC500  }
0xf: {  	v0 =	vimm.s32 $0x0;
	[tilespmem:s30], [sflag:$0x1] =	stream.linear.gather [hbm4b:s5+s6], $0x4E20, $0x38;
	[tilespmem:$0x17080] =	vst v63  }
0x10: {  	v1 =	vimm.s32 $0x27FF;
	[tilespmem:$0x7620] =	vst v0  }
0x11: {  	v2 =	vimm.f32 $1.000000000e+00;
	[tilespmem:$0xC4A0] =	vst v1  }
0x12: {  	[tilespmem:$0x11320] =	vst v2  }
0x13: {  	[tilespmem:$0x7630] =	vst v0  }
0x14: {  	[tilespmem:$0xC4B0] =	vst v1  }
0x15: {  	[tilespmem:$0x11330] =	vst v2  }
0x16: {  	[tilespmem:$0x7640] =	vst v0  }
0x17: {  	[tilespmem:$0xC4C0] =	vst v1  }
0x18: {  	[tilespmem:$0x11340] =	vst v2  }
0x19: {  	[tilespmem:$0x7650] =	vst v0  }
0x1a: {  	[tilespmem:$0xC4D0] =	vst v1  }
0x1b: {  	[tilespmem:$0x11350] =	vst v2  }
0x1c: {  	[tilespmem:$0x7660] =	vst v0  }
0x1d: {  	[tilespmem:$0xC4E0] =	vst v1  }
0x1e: {  	[tilespmem:$0x11360] =	vst v2  }
0x1f: {  	[tilespmem:$0x7670] =	vst v0  }
0x20: {  	[tilespmem:$0xC4F0] =	vst v1  }
0x21: {  	[tilespmem:$0x11370] =	vst v2  }
0x22: {  	[tilespmem:$0x16380] =	vst v2  }
0x23: {  	[tilespmem:$0x16390] =	vst v2  }
0x24: {  	[tilespmem:$0x163A0] =	vst v2  }
0x25: {  	[tilespmem:$0x163B0] =	vst v2  }
0x26: {  	[tilespmem:$0x163C0] =	vst v2  }
0x27: {  	[tilespmem:$0x163D0] =	vst v2  }
0x28: {  	[tilespmem:$0x163E0] =	vst v2  }
0x29: {  	v0 =	vimm.f32 $0.0e+00;
	[tilespmem:$0x163F0] =	vst v2  }
0x2a: {  	[tilespmem:$0x16900] =	vst v0  }
0x2b: {  	[tilespmem:$0x16910] =	vst v0  }
0x2c: {  	[tilespmem:$0x16920] =	vst v0  }
0x2d: {  	[tilespmem:$0x16930] =	vst v0  }
0x2e: {  	[tilespmem:$0x16940] =	vst v0  }
0x2f: {  	[tilespmem:$0x16950] =	vst v0  }
0x30: {  	[tilespmem:$0x16960] =	vst v0  }
0x31: {  	[tilespmem:$0x16970] =	vst v0  }
0x32: {  	[tilespmem:$0x16980] =	vst v0  }
0x33: {  	[tilespmem:$0x16990] =	vst v0  }
0x34: {  	[tilespmem:$0x169A0] =	vst v0  }
0x35: {  	[tilespmem:$0x169B0] =	vst v0  }
0x36: {  	[tilespmem:$0x169C0] =	vst v0  }
0x37: {  	[tilespmem:$0x169D0] =	vst v0  }
0x38: {  	[tilespmem:$0x169E0] =	vst v0  }
0x39: {  	[tilespmem:$0x169F0] =	vst v0  }
0x3a: {  	[tilespmem:$0x16A00] =	vst v0  }
0x3b: {  	[tilespmem:$0x16A10] =	vst v0  }
0x3c: {  	[tilespmem:$0x16A20] =	vst v0  }
0x3d: {  	[tilespmem:$0x16A30] =	vst v0  }
0x3e: {  	[tilespmem:$0x16A40] =	vst v0  }
0x3f: {  	[tilespmem:$0x16A50] =	vst v0  }
0x40: {  	[tilespmem:$0x16A60] =	vst v0  }
0x41: {  	[tilespmem:$0x16A70] =	vst v0  }
0x42: {  	[tilespmem:$0x16A80] =	vst v0  }
0x43: {  	[tilespmem:$0x16A90] =	vst v0  }
0x44: {  	[tilespmem:$0x16AA0] =	vst v0  }
0x45: {  	[tilespmem:$0x16AB0] =	vst v0  }
0x46: {  	[tilespmem:$0x16AC0] =	vst v0  }
0x47: {  	[tilespmem:$0x16AD0] =	vst v0  }
0x48: {  	[tilespmem:$0x16AE0] =	vst v0  }
0x49: {  	[tilespmem:$0x16AF0] =	vst v0  }
0x4a: {  	[tilespmem:$0x16B00] =	vst v0  }
0x4b: {  	[tilespmem:$0x16B10] =	vst v0  }
0x4c: {  	[tilespmem:$0x16B20] =	vst v0  }
0x4d: {  	[tilespmem:$0x16B30] =	vst v0  }
0x4e: {  	[tilespmem:$0x16B40] =	vst v0  }
0x4f: {  	s5 =	smul.u32 $0x280, s0;
	[tilespmem:$0x16B50] =	vst v0  }
0x50: {  	[tilespmem:$0x16B60] =	vst v0  }
0x51: {  	s9 =	simm.s32 $0x16900;
	s10 =	simm.s32 $0x3;
	[tilespmem:$0x16B70] =	vst v0;
	s7 =	sadd.s32 s5, s3  }
0x52: {  	[spmem:s7] =	stream.linear.scatter [tilespmem:s9], [sflag:$0x3], $0x280, $0x38;
	[tilespmem:$0x17080] =	vst v63  }
0x53: {  	_ =	swait.ge [sflag:s10], $0x280  }
0x54: {  	[sflag:s10] =	ssyncset.done $0x0  }
0x55: {  	s8 =	sadd.s32 s5, s4;
	[sflag:s10] =	ssyncadd.s32 $0xFFFFFD80  }
0x56: {  	[spmem:s8] =	stream.linear.scatter [tilespmem:s9], [sflag:$0x3], $0x280, $0x38;
	[tilespmem:$0x17080] =	vst v63  }
0x57: {  	_ =	swait.ge [sflag:s10], $0x280  }
0x58: {  	[sflag:s10] =	ssyncset.done $0x0  }
0x59: {  	s31 =	simm.s32 $0x1;
	[sflag:s10] =	ssyncadd.s32 $0xFFFFFD80  }
0x5a: {  	_ =	swait.ge [sflag:s31], $0x2800  }
0x5b: {  	[sflag:s31] =	ssyncset.done $0x0  }
0x5c: {  	[sflag:s31] =	ssyncadd.s32 $0xFFFFD800  }
0x5d: {  	_ =	swait.ge [sflag:s31], $0x4E20  }
0x5e: {  	[sflag:s31] =	ssyncset.done $0x0  }
0x5f: {  	[sflag:s31] =	ssyncadd.s32 $0xFFFFB1E0  }
0x60: {  	_ =	swait.ge [sflag:s31], $0x4E20  }
0x61: {  	[sflag:s31] =	ssyncset.done $0x0  }
0x62: {  	[sflag:s31] =	ssyncadd.s32 $0xFFFFB1E0  }
0x63: {  	_ =	swait.ge [sflag:s31], $0x4E20  }
0x64: {  	[sflag:s31] =	ssyncset.done $0x0  }
0x65: {  	[sflag:s31] =	ssyncadd.s32 $0xFFFFB1E0  }
0x66: {  	s9 =	simm.s32 $0x0;
	[bflag:$0x0] =	sbarrier.arrive $0xFFFF  }
0x67: {  	v0 =	vld [tilespmem:s9+$0x2800]  }
0x68: {  	v1 =	vld [tilespmem:s9+$0x7680]  }
0x69: {  	v2 =	vld [tilespmem:s9+$0xC500];
	_ =	sdelay $0x4  }
0x6a: {  	(erf) = vrcp.f32 v2;
	_ =	sdelay $0x1  }
0x6b: {  	v0 =	vld.idx.msk [tilespmem:v0+s6+$0x0], $0xffff  }
0x6c: {  	v1 =	vld.idx.msk [tilespmem:v1+s6+$0x0], $0xffff  }
0x6d: {  	v3 =	vld [tilespmem:s9+$0x7690]  }
0x6e: {  	v2 =	vld [tilespmem:s9+$0x2810]  }
0x6f: {  	v4 =	vld [tilespmem:s9+$0xC510];
	_ =	sdelay $0x1  }
0x70: {  	v0 =	vsub.f32 v1, v0  }
0x71: {  	v1 =	vpop (erf)  }
0x72: {  	v0 =	vmul.f32 v1, v0  }
0x73: {  	(erf) = vrcp.f32 v4  }
0x74: {  	[tilespmem:s9+$0x11380] =	vst v0  }
0x75: {  	v0 =	vld.idx.msk [tilespmem:v2+s6+$0x0], $0xffff  }
0x76: {  	v1 =	vld.idx.msk [tilespmem:v3+s6+$0x0], $0xffff  }
0x77: {  	v4 =	vld [tilespmem:s9+$0xC520]  }
0x78: {  	v2 =	vld [tilespmem:s9+$0x2820]  }
0x79: {  	v3 =	vld [tilespmem:s9+$0x76A0];
	_ =	sdelay $0x1  }
0x7a: {  	v0 =	vsub.f32 v1, v0  }
0x7b: {  	v1 =	vpop (erf)  }
0x7c: {  	v0 =	vmul.f32 v1, v0  }
0x7d: {  	(erf) = vrcp.f32 v4  }
0x7e: {  	[tilespmem:s9+$0x11390] =	vst v0  }
0x7f: {  	v0 =	vld.idx.msk [tilespmem:v2+s6+$0x0], $0xffff  }
0x80: {  	v1 =	vld.idx.msk [tilespmem:v3+s6+$0x0], $0xffff  }
0x81: {  	v4 =	vld [tilespmem:s9+$0x76B0]  }
0x82: {  	v3 =	vld [tilespmem:s9+$0x2830]  }
0x83: {  	s10 =	simm.s32 $0x80;
	v2 =	vld [tilespmem:s9+$0xC530]  }
0x84: {  	v6 =	vld [tilespmem:s10+$0x7680]  }
0x85: {  	v0 =	vsub.f32 v1, v0  }
0x86: {  	v5 =	vpop (erf);
	v1 =	vld [tilespmem:s10+$0x2800]  }
0x87: {  	v0 =	vmul.f32 v5, v0;
	v5 =	vld [tilespmem:s10+$0xC500]  }
0x88: {  	(erf) = vrcp.f32 v2  }
0x89: {  	[tilespmem:s9+$0x113A0] =	vst v0  }
0x8a: {  	v0 =	vld.idx.msk [tilespmem:v3+s6+$0x0], $0xffff  }
0x8b: {  	v2 =	vld.idx.msk [tilespmem:v4+s6+$0x0], $0xffff  }
0x8c: {  	v6 =	vld.idx.msk [tilespmem:v6+s6+$0x0], $0xffff;
	(erf) = vrcp.f32 v5  }
0x8d: {  	v4 =	vld [tilespmem:s9+$0x2840]  }
0x8e: {  	v5 =	vld [tilespmem:s9+$0x76C0]  }
0x8f: {  	v1 =	vld.idx.msk [tilespmem:v1+s6+$0x0], $0xffff  }
0x90: {  	v3 =	vld [tilespmem:s9+$0xC540];
	v0 =	vsub.f32 v2, v0  }
0x91: {  	v7 =	vld [tilespmem:s10+$0x2810];
	v2 =	vpop (erf)  }
0x92: {  	v8 =	vld [tilespmem:s10+$0x7690];
	v0 =	vmul.f32 v2, v0;
	_ =	sdelay $0x1  }
0x93: {  	v9 =	vld [tilespmem:s10+$0xC510];
	[tilespmem:s9+$0x113B0] =	vst v0;
	v0 =	vsub.f32 v6, v1  }
0x94: {  	(erf) = vrcp.f32 v3;
	v3 =	vld.idx.msk [tilespmem:v4+s6+$0x0], $0xffff;
	v1 =	vpop (erf)  }
0x95: {  	v4 =	vld [tilespmem:s9+$0x2850];
	v0 =	vmul.f32 v1, v0  }
0x96: {  	v1 =	vld.idx.msk [tilespmem:v5+s6+$0x0], $0xffff  }
0x97: {  	v5 =	vld [tilespmem:s9+$0x76D0];
	[tilespmem:s10+$0x11380] =	vst v0  }
0x98: {  	v6 =	vld.idx.msk [tilespmem:v7+s6+$0x0], $0xffff  }
0x99: {  	(erf) = vrcp.f32 v9;
	v7 =	vld.idx.msk [tilespmem:v8+s6+$0x0], $0xffff  }
0x9a: {  	v8 =	vld [tilespmem:s9+$0xC550];
	_ =	sdelay $0x1  }
0x9b: {  	v10 =	vld [tilespmem:s10+$0x76A0];
	v1 =	vsub.f32 v1, v3  }
0x9c: {  	v11 =	vld [tilespmem:s9+$0x2860];
	v9 =	vpop (erf)  }
0x9d: {  	v3 =	vld [tilespmem:s10+$0x2820];
	v1 =	vmul.f32 v9, v1  }
0x9e: {  	v9 =	vld [tilespmem:s10+$0xC520];
	(erf) = vrcp.f32 v8  }
0x9f: {  	v12 =	vld [tilespmem:s10+$0xC530];
	[tilespmem:s9+$0x113C0] =	vst v1  }
0xa0: {  	v6 =	vsub.f32 v7, v6;
	v4 =	vld.idx.msk [tilespmem:v4+s6+$0x0], $0xffff  }
0xa1: {  	v7 =	vpop (erf);
	v5 =	vld.idx.msk [tilespmem:v5+s6+$0x0], $0xffff  }
0xa2: {  	v13 =	vld [tilespmem:s10+$0x76B0];
	v6 =	vmul.f32 v7, v6  }
0xa3: {  	v2 =	vld [tilespmem:s9+$0xC570];
	(erf) = vrcp.f32 v9  }
0xa4: {  	[tilespmem:s10+$0x11390] =	vst v6;
	v6 =	vld [tilespmem:s9+$0x76E0]  }
0xa5: {  	v3 =	vld.idx.msk [tilespmem:v3+s6+$0x0], $0xffff  }
0xa6: {  	v8 =	vld.idx.msk [tilespmem:v10+s6+$0x0], $0xffff;
	v4 =	vsub.f32 v5, v4  }
0xa7: {  	v10 =	vld [tilespmem:s9+$0xC560];
	v7 =	vpop (erf)  }
0xa8: {  	v0 =	vld [tilespmem:s9+$0x2870];
	v4 =	vmul.f32 v7, v4  }
0xa9: {  	v5 =	vld [tilespmem:s10+$0x2830]  }
0xaa: {  	s11 =	simm.s32 $0x100;
	v1 =	vld [tilespmem:s9+$0x76F0]  }
0xab: {  	v7 =	vld [tilespmem:s11+$0x2800]  }
0xac: {  	v3 =	vsub.f32 v8, v3;
	v8 =	vld [tilespmem:s11+$0x7680];
	[tilespmem:s9+$0x113D0] =	vst v4;
	v4 =	vpop (erf);
	(erf) = vrcp.f32 v10  }
0xad: {  	v11 =	vld.idx.msk [tilespmem:v11+s6+$0x0], $0xffff  }
0xae: {  	v14 =	vld.idx.msk [tilespmem:v6+s6+$0x0], $0xffff;
	v3 =	vmul.f32 v4, v3  }
0xaf: {  	v6 =	vld [tilespmem:s11+$0xC500]  }
0xb0: {  	v4 =	vld [tilespmem:s10+$0xC540];
	(erf) = vrcp.f32 v12;
	[tilespmem:s10+$0x113A0] =	vst v3  }
0xb1: {  	v9 =	vld.idx.msk [tilespmem:v5+s6+$0x0], $0xffff  }
0xb2: {  	v10 =	vld.idx.msk [tilespmem:v13+s6+$0x0], $0xffff  }
0xb3: {  	v5 =	vld [tilespmem:s10+$0x2840]  }
0xb4: {  	s12 =	simm.s32 $0x600;
	(erf) = vrcp.f32 v6;
	v6 =	vld [tilespmem:s10+$0x76C0];
	v3 =	vsub.f32 v14, v11  }
.LBB2_1:
0xb5: {  	p0 =	sne.s32 s12, $0x13800;
	v7 =	vld.idx.msk [tilespmem:v7+s6+$0x0], $0xffff;
	v11 =	vpop (erf)  }
0xb6: {  	v8 =	vld.idx.msk [tilespmem:v8+s6+$0x0], $0xffff;
	v3 =	vmul.f32 v11, v3  }
0xb7: {  	v11 =	vld [tilespmem:s11+$0x2810]  }
0xb8: {  	v9 =	vsub.f32 v10, v9;
	v12 =	vld [tilespmem:s11+$0x7690];
	[tilespmem:s9+$0x113E0] =	vst v3;
	(erf) = vrcp.f32 v2  }
0xb9: {  	v2 =	vpop (erf);
	v0 =	vld.idx.msk [tilespmem:v0+s6+$0x0], $0xffff  }
0xba: {  	v2 =	vmul.f32 v2, v9;
	v1 =	vld.idx.msk [tilespmem:v1+s6+$0x0], $0xffff  }
0xbb: {  	v3 =	vld [tilespmem:s11+$0xC510]  }
0xbc: {  	v7 =	vsub.f32 v8, v7;
	[tilespmem:s10+$0x113B0] =	vst v2;
	v2 =	vld [tilespmem:s10+$0xC570];
	(erf) = vrcp.f32 v4  }
0xbd: {  	v4 =	vpop (erf);
	v5 =	vld.idx.msk [tilespmem:v5+s6+$0x0], $0xffff  }
0xbe: {  	v8 =	vmul.f32 v4, v7;
	v6 =	vld.idx.msk [tilespmem:v6+s6+$0x0], $0xffff  }
0xbf: {  	v7 =	vld [tilespmem:s10+$0x2850]  }
0xc0: {  	v0 =	vsub.f32 v1, v0;
	[tilespmem:s11+$0x11380] =	vst v8;
	(erf) = vrcp.f32 v3;
	v3 =	vld [tilespmem:s10+$0x76D0]  }
0xc1: {  	v1 =	vld.idx.msk [tilespmem:v11+s6+$0x0], $0xffff;
	v4 =	vpop (erf)  }
0xc2: {  	v8 =	vld.idx.msk [tilespmem:v12+s6+$0x0], $0xffff;
	v4 =	vmul.f32 v4, v0  }
0xc3: {  	v9 =	vld [tilespmem:s10+$0xC550]  }
0xc4: {  	v5 =	vsub.f32 v6, v5;
	v0 =	vld [tilespmem:s10+$0x2870];
	[tilespmem:s9+$0x113F0] =	vst v4;
	s9 =	smov.u32 s10;
	s10 =	smov.u32 s11  }
0xc5: {  	v4 =	vld [tilespmem:s10+$0x2820];
	v6 =	vpop (erf)  }
0xc6: {  	v10 =	vld [tilespmem:s10+$0x76A0];
	v11 =	vmul.f32 v6, v5  }
0xc7: {  	v6 =	vld [tilespmem:s10+$0xC520]  }
0xc8: {  	v8 =	vsub.f32 v8, v1;
	[tilespmem:s9+$0x113C0] =	vst v11;
	v1 =	vld [tilespmem:s9+$0x76F0];
	(erf) = vrcp.f32 v9  }
0xc9: {  	v5 =	vpop (erf);
	v7 =	vld.idx.msk [tilespmem:v7+s6+$0x0], $0xffff  }
0xca: {  	v5 =	vmul.f32 v5, v8;
	v3 =	vld.idx.msk [tilespmem:v3+s6+$0x0], $0xffff  }
0xcb: {  	v9 =	vld [tilespmem:s9+$0x2860]  }
0xcc: {  	[tilespmem:s10+$0x11390] =	vst v5;
	(erf) = vrcp.f32 v6;
	v5 =	vld [tilespmem:s9+$0x76E0]  }
0xcd: {  	v4 =	vld.idx.msk [tilespmem:v4+s6+$0x0], $0xffff  }
0xce: {  	v6 =	vld.idx.msk [tilespmem:v10+s6+$0x0], $0xffff  }
0xcf: {  	v10 =	vld [tilespmem:s9+$0xC560]  }
0xd0: {  	v3 =	vsub.f32 v3, v7;
	v11 =	vld [tilespmem:s10+$0xC530]  }
0xd1: {  	v12 =	vld [tilespmem:s10+$0x2830];
	v7 =	vpop (erf)  }
0xd2: {  	s11 =	sshra.s32 s12, $0x2;
	v13 =	vld [tilespmem:s10+$0x76B0];
	v14 =	vmul.f32 v7, v3  }
0xd3: {  	v7 =	vld [tilespmem:s11+$0x2800]  }
0xd4: {  	v4 =	vsub.f32 v6, v4;
	v8 =	vld [tilespmem:s11+$0x7680];
	[tilespmem:s9+$0x113D0] =	vst v14;
	(erf) = vrcp.f32 v10  }
0xd5: {  	v3 =	vpop (erf);
	v14 =	vld.idx.msk [tilespmem:v9+s6+$0x0], $0xffff  }
0xd6: {  	v3 =	vmul.f32 v3, v4;
	v15 =	vld.idx.msk [tilespmem:v5+s6+$0x0], $0xffff  }
0xd7: {  	v6 =	vld [tilespmem:s11+$0xC500]  }
.Ltmp0:
0xd8: {  	[tilespmem:s10+$0x113A0] =	vst v3;
	v4 =	vld [tilespmem:s10+$0xC540];
	(erf) = vrcp.f32 v11;
	(pc) =	sbr.rel @p0 .LBB2_1-.Ltmp0, $4  }
0xd9: {  	v9 =	vld.idx.msk [tilespmem:v12+s6+$0x0], $0xffff  }
0xda: {  	v10 =	vld.idx.msk [tilespmem:v13+s6+$0x0], $0xffff  }
0xdb: {  	v5 =	vld [tilespmem:s10+$0x2840]  }
0xdc: {  	s12 =	sadd.s32 $0x200, s12;
	v3 =	vsub.f32 v15, v14;
	(erf) = vrcp.f32 v6;
	v6 =	vld [tilespmem:s10+$0x76C0]  }
0xdd: {  	_ =	sdelay $0x3  }
0xde: {  	v7 =	vld.idx.msk [tilespmem:v7+s6+$0x0], $0xffff  }
0xdf: {  	v8 =	vld.idx.msk [tilespmem:v8+s6+$0x0], $0xffff  }
0xe0: {  	v11 =	vld [tilespmem:s11+$0x2810]  }
0xe1: {  	v12 =	vld [tilespmem:s11+$0x7690]  }
0xe2: {  	v55 =	vld [tilespmem:s11+$0xC510]  }
0xe3: {  	v13 =	vpop (erf)  }
0xe4: {  	v14 =	vpop (erf);
	v7 =	vsub.f32 v8, v7  }
0xe5: {  	(erf) = vrcp.f32 v2;
	v56 =	vpop (erf)  }
0xe6: {  	(erf) = vrcp.f32 v4;
	v2 =	vmul.f32 v56, v7  }
0xe7: {  	(erf) = vrcp.f32 v55  }
0xe8: {  	v60 =	vld [tilespmem:s10+$0xC550];
	[tilespmem:s11+$0x11380] =	vst v2  }
0xe9: {  	v2 =	vld.idx.msk [tilespmem:v11+s6+$0x0], $0xffff  }
0xea: {  	v59 =	vld.idx.msk [tilespmem:v12+s6+$0x0], $0xffff  }
0xeb: {  	v61 =	vld [tilespmem:s11+$0x2820]  }
0xec: {  	v62 =	vld [tilespmem:s11+$0x76A0]  }
0xed: {  	v20 =	vld [tilespmem:s11+$0xC520]  }
0xee: {  	v63 =	vpop (erf)  }
0xef: {  	v21 =	vpop (erf);
	v2 =	vsub.f32 v59, v2  }
0xf0: {  	v23 =	vpop (erf)  }
0xf1: {  	(erf) = vrcp.f32 v60;
	v2 =	vmul.f32 v23, v2  }
0xf2: {  	(erf) = vrcp.f32 v20  }
0xf3: {  	v27 =	vld [tilespmem:s10+$0xC560];
	[tilespmem:s11+$0x11390] =	vst v2  }
0xf4: {  	v2 =	vld.idx.msk [tilespmem:v61+s6+$0x0], $0xffff  }
0xf5: {  	v26 =	vld.idx.msk [tilespmem:v62+s6+$0x0], $0xffff  }
0xf6: {  	v28 =	vld [tilespmem:s11+$0xC530]  }
0xf7: {  	v29 =	vld [tilespmem:s11+$0x2830]  }
0xf8: {  	v30 =	vld [tilespmem:s11+$0x76B0];
	_ =	sdelay $0x1  }
0xf9: {  	v31 =	vpop (erf);
	v2 =	vsub.f32 v26, v2  }
0xfa: {  	v32 =	vpop (erf)  }
0xfb: {  	(erf) = vrcp.f32 v27;
	v2 =	vmul.f32 v32, v2  }
0xfc: {  	(erf) = vrcp.f32 v28  }
0xfd: {  	v22 =	vld [tilespmem:s10+$0xC570];
	[tilespmem:s11+$0x113A0] =	vst v2  }
0xfe: {  	v2 =	vld.idx.msk [tilespmem:v29+s6+$0x0], $0xffff  }
0xff: {  	v33 =	vld.idx.msk [tilespmem:v30+s6+$0x0], $0xffff  }
0x100: {  	v34 =	vld [tilespmem:s11+$0xC540]  }
0x101: {  	v35 =	vld [tilespmem:s11+$0x2840]  }
0x102: {  	v36 =	vld [tilespmem:s11+$0x76C0];
	v9 =	vsub.f32 v10, v9;
	_ =	sdelay $0x1  }
0x103: {  	v9 =	vmul.f32 v14, v9;
	v37 =	vpop (erf);
	v2 =	vsub.f32 v33, v2  }
0x104: {  	v15 =	vld [tilespmem:s10+$0x2850];
	v38 =	vpop (erf)  }
0x105: {  	v24 =	vld [tilespmem:s10+$0x76D0];
	[tilespmem:s10+$0x113B0] =	vst v9;
	(erf) = vrcp.f32 v22;
	v2 =	vmul.f32 v38, v2  }
0x106: {  	v57 =	vld.idx.msk [tilespmem:v5+s6+$0x0], $0xffff;
	(erf) = vrcp.f32 v34  }
0x107: {  	v58 =	vld.idx.msk [tilespmem:v6+s6+$0x0], $0xffff;
	[tilespmem:s11+$0x113B0] =	vst v2  }
0x108: {  	v2 =	vld.idx.msk [tilespmem:v35+s6+$0x0], $0xffff  }
0x109: {  	v39 =	vld.idx.msk [tilespmem:v36+s6+$0x0], $0xffff  }
0x10a: {  	v40 =	vld [tilespmem:s11+$0x2850]  }
0x10b: {  	v41 =	vld [tilespmem:s11+$0x76D0]  }
0x10c: {  	v42 =	vld [tilespmem:s11+$0xC550];
	v4 =	vsub.f32 v58, v57;
	_ =	sdelay $0x1  }
0x10d: {  	v4 =	vmul.f32 v21, v4;
	v44 =	vpop (erf);
	v2 =	vsub.f32 v39, v2  }
0x10e: {  	v45 =	vld [tilespmem:s10+$0x2860];
	v16 =	vpop (erf)  }
0x10f: {  	v47 =	vld [tilespmem:s10+$0x76E0];
	[tilespmem:s10+$0x113C0] =	vst v4;
	v2 =	vmul.f32 v16, v2  }
0x110: {  	v43 =	vld.idx.msk [tilespmem:v15+s6+$0x0], $0xffff;
	(erf) = vrcp.f32 v42  }
0x111: {  	v5 =	vld.idx.msk [tilespmem:v24+s6+$0x0], $0xffff;
	[tilespmem:s11+$0x113C0] =	vst v2  }
0x112: {  	v2 =	vld.idx.msk [tilespmem:v40+s6+$0x0], $0xffff  }
0x113: {  	v48 =	vld.idx.msk [tilespmem:v41+s6+$0x0], $0xffff  }
0x114: {  	v49 =	vld [tilespmem:s11+$0x2860]  }
0x115: {  	v50 =	vld [tilespmem:s11+$0x76E0]  }
0x116: {  	v18 =	vld [tilespmem:s11+$0xC560];
	v5 =	vsub.f32 v5, v43;
	_ =	sdelay $0x1  }
0x117: {  	v5 =	vmul.f32 v31, v5;
	v2 =	vsub.f32 v48, v2  }
0x118: {  	v25 =	vld [tilespmem:s10+$0x2870];
	v52 =	vpop (erf)  }
0x119: {  	v17 =	vld [tilespmem:s11+$0xC570];
	[tilespmem:s10+$0x113D0] =	vst v5;
	v2 =	vmul.f32 v52, v2  }
0x11a: {  	v4 =	vld.idx.msk [tilespmem:v45+s6+$0x0], $0xffff;
	(erf) = vrcp.f32 v18  }
0x11b: {  	v54 =	vld.idx.msk [tilespmem:v47+s6+$0x0], $0xffff;
	[tilespmem:s11+$0x113D0] =	vst v2  }
0x11c: {  	v8 =	vld.idx.msk [tilespmem:v49+s6+$0x0], $0xffff  }
0x11d: {  	v55 =	vld.idx.msk [tilespmem:v50+s6+$0x0], $0xffff  }
0x11e: {  	v51 =	vld [tilespmem:s10+$0x76F0]  }
0x11f: {  	v46 =	vld [tilespmem:s11+$0x2870]  }
0x120: {  	v53 =	vld [tilespmem:s11+$0x76F0];
	v3 =	vmul.f32 v13, v3;
	v2 =	vsub.f32 v54, v4;
	_ =	sdelay $0x1  }
0x121: {  	[tilespmem:s9+$0x113E0] =	vst v3;
	v2 =	vmul.f32 v37, v2;
	v56 =	vsub.f32 v55, v8  }
0x122: {  	v0 =	vld.idx.msk [tilespmem:v0+s6+$0x0], $0xffff;
	v57 =	vpop (erf)  }
0x123: {  	v1 =	vld.idx.msk [tilespmem:v1+s6+$0x0], $0xffff;
	[tilespmem:s10+$0x113E0] =	vst v2;
	v58 =	vmul.f32 v57, v56  }
0x124: {  	(erf) = vrcp.f32 v17;
	v59 =	vld.idx.msk [tilespmem:v25+s6+$0x0], $0xffff  }
0x125: {  	v60 =	vld.idx.msk [tilespmem:v51+s6+$0x0], $0xffff;
	[tilespmem:s11+$0x113E0] =	vst v58  }
0x126: {  	v2 =	vld.idx.msk [tilespmem:v46+s6+$0x0], $0xffff  }
0x127: {  	v5 =	vld.idx.msk [tilespmem:v53+s6+$0x0], $0xffff;
	_ =	sdelay $0x2  }
0x128: {  	v0 =	vsub.f32 v1, v0  }
0x129: {  	v61 =	vsub.f32 v60, v59  }
0x12a: {  	v0 =	vmul.f32 v63, v0;
	v2 =	vsub.f32 v5, v2  }
0x12b: {  	v62 =	vpop (erf);
	v1 =	vmul.f32 v44, v61  }
0x12c: {  	[tilespmem:s9+$0x113F0] =	vst v0;
	v63 =	vmul.f32 v62, v2  }
0x12d: {  	[tilespmem:s10+$0x113F0] =	vst v1  }
0x12e: {  	s28 =	simm.s32 $0x7680;
	s29 =	simm.s32 $0x11380;
	s6 =	simm.s32 $0x80;
	[tilespmem:s11+$0x113F0] =	vst v63  }
0x12f: {  	[spmem:s3] =	stream.indirect.scatter.add.f32 [tilespmem:s29], [sflag:$0x2], $0x1, s28, s6, $0xb8;
	[tilespmem:$0x17080] =	vst v63  }
0x130: {  	s10 =	simm.s32 $0x16380  }
0x131: {  	[spmem:s4] =	stream.indirect.scatter.add.f32 [tilespmem:s10], [sflag:$0x2], $0x1, s28, s6, $0xb8;
	[tilespmem:$0x17080] =	vst v63  }
0x132: {  	s30 =	simm.s32 $0x11400;
	s31 =	simm.s32 $0x7700  }
0x133: {  	[spmem:s3] =	stream.indirect.scatter.add.f32 [tilespmem:s30], [sflag:$0x2], $0x1, s31, s6, $0xb8;
	[tilespmem:$0x17080] =	vst v63  }
0x134: {  	s9 =	simm.s32 $0x2  }
0x135: {  	[spmem:s4] =	stream.indirect.scatter.add.f32 [tilespmem:s10], [sflag:$0x2], $0x1, s31, s6, $0xb8;
	[tilespmem:$0x17080] =	vst v63  }
0x136: {  	_ =	swait.ge [sflag:s9], $0x80  }
0x137: {  	[sflag:s9] =	ssyncset.done $0x0  }
0x138: {  	[sflag:s9] =	ssyncadd.s32 $0xFFFFFF80  }
0x139: {  	_ =	swait.ge [sflag:s9], $0x80  }
0x13a: {  	s12 =	simm.s32 $0x100;
	s11 =	simm.s32 $0x600;
	[sflag:s9] =	ssyncset.done $0x0  }
.LBB2_3:
0x13b: {  	s13 =	sadd.s32 $0x11380, s12;
	s12 =	sadd.s32 $0x7680, s12;
	[sflag:s9] =	ssyncadd.s32 $0xFFFFFF80  }
0x13c: {  	[spmem:s3] =	stream.indirect.scatter.add.f32 [tilespmem:s13], [sflag:$0x2], $0x1, s12, s6, $0xb8;
	[tilespmem:$0x17080] =	vst v63  }
0x13d: {  	p0 =	sne.s32 s11, $0x13800;
	s13 =	smov.u32 s11;
	s11 =	sadd.s32 $0x200, s11  }
0x13e: {  	[spmem:s4] =	stream.indirect.scatter.add.f32 [tilespmem:s10], [sflag:$0x2], $0x1, s12, s6, $0xb8;
	[tilespmem:$0x17080] =	vst v63  }
.Ltmp1:
0x13f: {  	_ =	swait.ge [sflag:s9], $0x80;
	(pc) =	sbr.rel @p0 .LBB2_3-.Ltmp1, $4  }
0x140: {  	[sflag:s9] =	ssyncset.done $0x0  }
0x141: {  	[sflag:s9] =	ssyncadd.s32 $0xFFFFFF80  }
0x142: {  	_ =	swait.ge [sflag:s9], $0x80  }
0x143: {  	s12 =	sshra.s32 s13, $0x2;
	[sflag:s9] =	ssyncset.done $0x0  }
0x144: {  	s11 =	sadd.s32 $0x11380, s12;
	s26 =	sadd.s32 $0x7680, s12;
	[sflag:s9] =	ssyncadd.s32 $0xFFFFFF80  }
0x145: {  	[spmem:s3] =	stream.indirect.scatter.add.f32 [tilespmem:s11], [sflag:$0x2], $0x1, s26, s6, $0xb8;
	[tilespmem:$0x17080] =	vst v63  }
0x146: {  	_ = 	snop  }
0x147: {  	[spmem:s4] =	stream.indirect.scatter.add.f32 [tilespmem:s10], [sflag:$0x2], $0x1, s26, s6, $0xb8;
	[tilespmem:$0x17080] =	vst v63  }
0x148: {  	_ =	swait.ge [sflag:s9], $0x80  }
0x149: {  	[sflag:s9] =	ssyncset.done $0x0  }
0x14a: {  	[sflag:s9] =	ssyncadd.s32 $0xFFFFFF80  }
0x14b: {  	_ =	swait.ge [sflag:s9], $0x80  }
0x14c: {  	[sflag:s9] =	ssyncset.done $0x0  }
0x14d: {  	s28 =	simm.s32 $0x2;
	[sflag:s9] =	ssyncadd.s32 $0xFFFFFF80  }
0x14e: {  	_ =	swait.ge [sflag:s28], $0x80  }
0x14f: {  	[sflag:s28] =	ssyncset.done $0x0  }
0x150: {  	[sflag:s28] =	ssyncadd.s32 $0xFFFFFF80  }
0x151: {  	_ =	swait.ge [sflag:s28], $0x80  }
0x152: {  	[sflag:s28] =	ssyncset.done $0x0  }
0x153: {  	[sflag:s28] =	ssyncadd.s32 $0xFFFFFF80  }
0x154: {  	s29 =	simm.s32 $0x16400;
	s30 =	simm.s32 $0x3;
	[bflag:$0x0] =	sbarrier.arrive $0xFFFF  }
0x155: {  	[tilespmem:s29], [sflag:$0x3] =	stream.linear.gather [spmem:s7], $0x280, $0x38;
	[tilespmem:$0x17080] =	vst v63  }
0x156: {  	_ =	swait.ge [sflag:s30], $0x280  }
0x157: {  	[sflag:s30] =	ssyncset.done $0x0  }
0x158: {  	s31 =	simm.s32 $0x16680;
	[sflag:s30] =	ssyncadd.s32 $0xFFFFFD80  }
0x159: {  	[tilespmem:s31], [sflag:$0x3] =	stream.linear.gather [spmem:s8], $0x280, $0x38;
	[tilespmem:$0x17080] =	vst v63  }
0x15a: {  	_ =	swait.ge [sflag:s30], $0x280  }
0x15b: {  	[sflag:s30] =	ssyncset.done $0x0  }
0x15c: {  	s4 =	simm.s32 $0x0;
	[sflag:s30] =	ssyncadd.s32 $0xFFFFFD80  }
0x15d: {  	v0 =	vld [tilespmem:s4+$0x16680];
	_ =	sdelay $0x4  }
0x15e: {  	v0 =	vmax.f32 v0, $1.000000000e+00  }
0x15f: {  	(erf) = vrcp.f32 v0;
	_ =	sdelay $0x1  }
0x160: {  	s3 =	simm.s32 $0x10  }
0x161: {  	v0 =	vld [tilespmem:s3+$0x16680];
	_ =	sdelay $0x4  }
0x162: {  	s6 =	simm.s32 $0x20;
	v1 =	vld [tilespmem:s4+$0x16400];
	v0 =	vmax.f32 v0, $1.000000000e+00  }
0x163: {  	v2 =	vpop (erf);
	(erf) = vrcp.f32 v0;
	v0 =	vld [tilespmem:s6+$0x16680];
	_ =	sdelay $0x3  }
0x164: {  	s7 =	simm.s32 $0xC0;
	v1 =	vmul.f32 v2, v1  }
.LBB2_5:
0x165: {  	s8 =	sshra.s32 s7, $0x2;
	p0 =	sne.s32 s7, $0x9C0;
	s7 =	sadd.s32 $0x40, s7;
	v2 =	vmax.f32 v0, $1.000000000e+00;
	v3 =	vld [tilespmem:s3+$0x16400]  }
.Ltmp2:
0x166: {  	v0 =	vld [tilespmem:s8+$0x16680];
	(erf) = vrcp.f32 v2;
	[tilespmem:s4+$0x16900] =	vst v1;
	s4 =	smov.u32 s3;
	s3 =	smov.u32 s6;
	(pc) =	sbr.rel @p0 .LBB2_5-.Ltmp2, $3  }
0x167: {  	s6 =	smov.u32 s8;
	_ =	sdelay $0x1  }
0x168: {  	v1 =	vpop (erf)  }
0x169: {  	v1 =	vmul.f32 v1, v3  }
0x16a: {  	v0 =	vmax.f32 v0, $1.000000000e+00  }
0x16b: {  	(erf) = vrcp.f32 v0;
	_ =	sdelay $0x3  }
0x16c: {  	v62 =	vld [tilespmem:s3+$0x16400];
	[tilespmem:s4+$0x16900] =	vst v1  }
0x16d: {  	v1 =	vld [tilespmem:s6+$0x16400];
	_ =	sdelay $0x2  }
0x16e: {  	v2 =	vpop (erf)  }
0x16f: {  	v0 =	vmul.f32 v2, v62;
	v63 =	vpop (erf)  }
0x170: {  	v1 =	vmul.f32 v63, v1  }
0x171: {  	p0 =	seq.s32 s0, $0xF;
	[tilespmem:s3+$0x16900] =	vst v0  }
0x172: {  	s4 =	simm.s32 @p0 $0x0;
	s3 =	sadd.s32 @p0 $0x4B0, s2;
	[tilespmem:s6+$0x16900] =	vst v1;
	s6 =	simm.s32 @p0 $0x16900  }
0x173: {  	[hbm4b:s3+s4] =	stream.linear.scatter @p0 [tilespmem:s6], [sflag:$0x3], $0x190, $0x38;
	[tilespmem:$0x17080] =	vst v63  }
0x174: {  	s3 =	simm.s32 @p0 $0x3  }
0x175: {  	_ =	swait.ge @p0 [sflag:s3], $0x190  }
0x176: {  	[sflag:s3] =	ssyncset.done @p0 $0x0  }
0x177: {  	[sflag:s3] =	ssyncadd.s32 @p0 $0xFFFFFE70;
	s3 =	sshrl.u32 @!p0 s5, $0x3  }
0x178: {  	s4 =	simm.s32 @!p0 $0x16900;
	s2 =	sadd.s32 @!p0 s2, s3;
	s3 =	simm.s32 @!p0 $0x0  }
0x179: {  	[hbm4b:s2+s3] =	stream.linear.scatter @!p0 [tilespmem:s4], [sflag:$0x3], $0x280, $0x38;
	[tilespmem:$0x17080] =	vst v63  }
0x17a: {  	s2 =	simm.s32 @!p0 $0x3  }
0x17b: {  	_ =	swait.ge @!p0 [sflag:s2], $0x280  }
0x17c: {  	[sflag:s2] =	ssyncset.done @!p0 $0x0  }
0x17d: {  	[sflag:s2] =	ssyncadd.s32 @!p0 $0xFFFFFD80  }
0x17e: {  	_ =	sfence.sel $0x180000  }
0x17f: {  	[bflag:$0x0] =	sbarrier.arrive $0xFFFF  }
0x180: {  	p0 =	sne.s32 s0, $0x0;
	_ =	strace $0x90000047  }
0x181: {  	s0 =	sadd.s32 @!p0 $0x100000, s1;
	[bflag:$0x2] =	sbarrier.arrive $0xFFFF  }
0x182: {  	[sflag:s0] =	ssyncadd.tile.s32 @!p0 $0x1;
	_ =	shalt  }
.Lfunc_end2:
_tile_overlayer_lowered:
.L_overlay_start_2:
0x183: {  	(tag) =	ssettag $0x2  }
0x184: {  	s0 =	rddreg [dreg:$0x0];
	s2 =	stileid.u32  }
0x185: {  	s1 =	rddreg [dreg:$0x1];
	p0 =	sne.s32 s2, $0x0  }
0x186: {  	s3 =	rddreg [dreg:$0x2];
	[bflag:$0x3] =	sbarrier.arrive $0xFFFF;
	s2 =	simm.s32 @!p0 $0x1C03  }
0x187: {  	[timem:s3], [sflag:s2] =	dma.local @!p0 [hbm:s0], s1  }
0x188: {  	s0 =	simm.s32 @!p0 $0x3  }
0x189: {  	_ =	swait.ge @!p0 [sflag:s0], s1  }
0x18a: {  	s1 =	ssub.s32 @!p0 $0x0, s1;
	[sflag:s0] =	ssyncset.done @!p0 $0x0  }
0x18b: {  	[sflag:s0] =	ssyncadd.s32 @!p0 s1  }
0x18c: {  	[bflag:$0x3] =	sbarrier.arrive $0xFFFF  }
0x18d: {  	_ =	shalt  }

</sc_bundles>
